<compile_context>
chip_gen: v7x
topology: tpu7x:2x2x1
jax: 0.10.2.dev20260603
libtpu: 0.0.44.dev20260713+nightly
codegen_flags: <defaults>
</compile_context>

<pallas_src>
import functools

import jax
import jax.numpy as jnp
from jax import lax
from jax.experimental import pallas as pl
from jax.experimental.pallas import tpu as pltpu
from jax.experimental.pallas import tpu_sc as plsc

B = 16384
D = 8
H = 256
NC = 2
NS = 16
NW = NC * NS
BPW = B // NW
BBM = 8192

_DN = lax.GatherDimensionNumbers(offset_dims=(), collapsed_slice_dims=(0,),
                                 start_index_map=(0,))


def _perm(vec, idxvec):
    return lax.gather(vec, idxvec[:, None], _DN, (1,),
                      mode=lax.GatherScatterMode.PROMISE_IN_BOUNDS)


def _sc_body(idx_hbm, gt_hbm, ct_hbm, out_hbm, idx_v, gt_v, ct_v, out_v):
    c = lax.axis_index("c")
    s = lax.axis_index("s")
    wid = s * NC + c
    base = wid * BPW
    pltpu.sync_copy(gt_hbm, gt_v)
    pltpu.sync_copy(ct_hbm, ct_v)
    pltpu.sync_copy(idx_hbm.at[pl.ds(base * 32, BPW * 32)], idx_v)

    lane = lax.iota(jnp.int32, 16)
    tail8 = lane % 8
    lo = lane < 8

    def rows(src, a, b):
        return _perm(src, jnp.where(lo, a, b)) * 8 + tail8

    def mean10(rows_list):
        acc = rows_list[0]
        for r in rows_list[1:]:
            acc = acc + r
        up = _perm(acc, tail8 + 8)
        return (acc + up) * 0.1

    def body(i, carry):
        r0 = idx_v[pl.ds(i * 32, 16)]
        r1 = idx_v[pl.ds(i * 32 + 16, 16)]
        g01 = plsc.load_gather(gt_v, [rows(r0, 0, 1)])
        g23 = plsc.load_gather(gt_v, [rows(r0, 2, 3)])
        g44 = plsc.load_gather(gt_v, [rows(r0, 4, 4)])
        c01 = plsc.load_gather(ct_v, [rows(r0, 5, 6)])
        c23 = plsc.load_gather(ct_v, [rows(r0, 7, 8)])
        c44 = plsc.load_gather(ct_v, [rows(r0, 9, 9)])
        pres = mean10([
            plsc.load_gather(gt_v, [rows(r0, 10, 11)]),
            plsc.load_gather(gt_v, [rows(r0, 12, 13)]),
            plsc.load_gather(gt_v, [rows(r0, 14, 15)]),
            plsc.load_gather(gt_v, [rows(r1, 0, 1)]),
            plsc.load_gather(gt_v, [rows(r1, 2, 3)]),
        ])
        absm = mean10([
            plsc.load_gather(gt_v, [rows(r1, 4, 5)]),
            plsc.load_gather(gt_v, [rows(r1, 6, 7)]),
            plsc.load_gather(gt_v, [rows(r1, 8, 9)]),
            plsc.load_gather(gt_v, [rows(r1, 10, 11)]),
            plsc.load_gather(gt_v, [rows(r1, 12, 13)]),
        ])
        pres_hi = _perm(pres, tail8)
        abs_hi = _perm(absm, tail8)
        out_v[pl.ds(i * 96, 16)] = g01
        out_v[pl.ds(i * 96 + 16, 16)] = g23
        out_v[pl.ds(i * 96 + 32, 16)] = jnp.where(lo, g44, pres_hi)
        out_v[pl.ds(i * 96 + 48, 16)] = c01
        out_v[pl.ds(i * 96 + 64, 16)] = c23
        out_v[pl.ds(i * 96 + 80, 16)] = jnp.where(lo, c44, abs_hi)
        return carry

    lax.fori_loop(0, BPW, body, 0, unroll=4)
    pltpu.sync_copy(out_v, out_hbm.at[pl.ds(base * 96, BPW * 96)])


def _sc_combined(idx_flat, gt_flat, ct_flat):
    mesh = plsc.VectorSubcoreMesh(core_axis_name="c", subcore_axis_name="s")
    kfn = functools.partial(
        pl.kernel,
        mesh=mesh,
        compiler_params=pltpu.CompilerParams(needs_layout_passes=False),
        out_type=jax.ShapeDtypeStruct((B * 96,), jnp.float32),
        scratch_types=[
            pltpu.VMEM((BPW * 32,), jnp.int32),
            pltpu.VMEM((26 * D,), jnp.float32),
            pltpu.VMEM((27 * D,), jnp.float32),
            pltpu.VMEM((BPW * 96,), jnp.float32),
        ],
    )(_sc_body)
    return kfn(idx_flat, gt_flat, ct_flat)


def _mlp_body(comb_ref, w1_ref, b1_ref, w2_ref, b2_ref, out_ref, w1p_ref):
    @pl.when(pl.program_id(0) == 0)
    def _prep():
        w1 = w1_ref[:]
        w1p_ref[:] = jnp.concatenate(
            [w1[0:40], w1[80:88], w1[40:80], w1[88:96]], axis=0
        ).astype(jnp.bfloat16)

    comb = comb_ref[:].astype(jnp.bfloat16)
    h = jax.lax.dot(comb, w1p_ref[:], preferred_element_type=jnp.float32)
    h = jnp.maximum(h + b1_ref[:], 0.0).astype(jnp.bfloat16)
    out = jax.lax.dot(h, w2_ref[:], preferred_element_type=jnp.float32)
    out_ref[:] = out + b2_ref[:]


def _mlp(comb, W1, b1, W2, b2):
    b1r = b1.reshape(1, H).astype(jnp.bfloat16)
    w2r = W2.astype(jnp.bfloat16)
    b2r = b2.reshape(1, 1)
    return pl.pallas_call(
        _mlp_body,
        grid=(B // BBM,),
        in_specs=[
            pl.BlockSpec((BBM, 96), lambda i: (i, 0)),
            pl.BlockSpec((96, H), lambda i: (0, 0)),
            pl.BlockSpec((1, H), lambda i: (0, 0)),
            pl.BlockSpec((H, 1), lambda i: (0, 0)),
            pl.BlockSpec((1, 1), lambda i: (0, 0)),
        ],
        out_specs=pl.BlockSpec((BBM, 1), lambda i: (i, 0)),
        out_shape=jax.ShapeDtypeStruct((B, 1), jnp.float32),
        scratch_shapes=[pltpu.VMEM((96, H), jnp.bfloat16)],
    )(comb, W1, b1r, w2r, b2r)


@jax.jit
def kernel(guess_indices, constraint_indices, presence_list, absent_list,
           guess_table, constraint_table, W1, b1, W2, b2):
    idx = jnp.concatenate(
        [guess_indices, constraint_indices, presence_list, absent_list,
         jnp.zeros((B, 2), guess_indices.dtype)], axis=1).astype(jnp.int32)
    comb_flat = _sc_combined(idx.reshape(-1), guess_table.reshape(-1),
                             constraint_table.reshape(-1))
    return _mlp(comb_flat.reshape(B, 96), W1, b1, W2, b2)

# --- scband reference (transcript-rebuilt; emitter-appended) ---
"""Pipeline reference for scband-wordle-embedding-model-27539330302402 (READ-ONLY COPY).

The authoritative reference and input builder live on the scoring server;
editing this copy changes nothing except your own understanding.
"""

import jax, jax.numpy as jnp
import numpy as np

B = 16384
D = 8
H = 256
P = 10
TOTAL_DIM = (5 + 5) * D + 2 * D


def setup_inputs(seed: int = 0) -> dict:
    key = jax.random.key(seed)
    ks = jax.random.split(key, 10)
    guess_indices = jax.random.randint(ks[0], (B, 5), 0, 26)
    constraint_indices = jax.random.randint(ks[1], (B, 5), 0, 27)
    presence_list = jax.random.randint(ks[2], (B, P), 0, 26)
    absent_list = jax.random.randint(ks[3], (B, P), 0, 26)
    guess_table = jax.random.normal(ks[4], (26, D), dtype=jnp.float32)
    constraint_table = jax.random.normal(ks[5], (27, D), dtype=jnp.float32)
    W1 = jax.random.normal(ks[6], (TOTAL_DIM, H), dtype=jnp.float32) * 0.1
    b1 = jnp.zeros((H,), dtype=jnp.float32)
    W2 = jax.random.normal(ks[7], (H, 1), dtype=jnp.float32) * 0.1
    b2 = jnp.zeros((1,), dtype=jnp.float32)
    return {
        'guess_indices': guess_indices,
        'constraint_indices': constraint_indices,
        'presence_list': presence_list,
        'absent_list': absent_list,
        'guess_table': guess_table,
        'constraint_table': constraint_table,
        'W1': W1,
        'b1': b1,
        'W2': W2,
        'b2': b2,
    }


def reference(guess_indices, constraint_indices, presence_list, absent_list,
              guess_table, constraint_table, W1, b1, W2, b2):
    batch = guess_indices.shape[0]
    # guess letter embeddings, flattened: (B, 5*D)
    guess_emb_flat = jnp.take(guess_table, guess_indices, axis=0).reshape(batch, -1)
    # constraint embeddings, flattened: (B, 5*D)
    constraint_emb_flat = jnp.take(constraint_table, constraint_indices, axis=0).reshape(batch, -1)
    # aggregate_set: mean of guess_table rows over each fixed-length set
    presence_agg = jnp.take(guess_table, presence_list, axis=0).mean(axis=1)
    absent_agg = jnp.take(guess_table, absent_list, axis=0).mean(axis=1)
    combined = jnp.concatenate([guess_emb_flat, constraint_emb_flat, presence_agg, absent_agg], axis=1)
    # MLP (dropout inactive / eval mode)
    h = jax.nn.relu(combined @ W1 + b1)
    out = h @ W2 + b2
    return out

if __name__ == "__main__":
    import jax
    _d = setup_inputs()
    print(jax.jit(kernel)(*tuple(_d.values())))

</pallas_src>

<mosaic_0001>
#map = affine_map<(d0, d1) -> (0)>
module attributes {stable_mosaic.version = 14 : i64} {
  func.func @_sc_body(%arg0: i32, %arg1: i32, %arg2: memref<524288xi32, #tpu.memory_space<hbm>>, %arg3: memref<208xf32, #tpu.memory_space<hbm>>, %arg4: memref<216xf32, #tpu.memory_space<hbm>>, %arg5: memref<1572864xf32, #tpu.memory_space<hbm>>, %arg6: memref<16384xi32, #tpu.memory_space<vmem>>, %arg7: memref<208xf32, #tpu.memory_space<vmem>>, %arg8: memref<216xf32, #tpu.memory_space<vmem>>, %arg9: memref<49152xf32, #tpu.memory_space<vmem>>) attributes {dimension_semantics = [#tpu.dimension_semantics<core_parallel>, #tpu.dimension_semantics<subcore_parallel>], iteration_bounds = array<i64: 2, 16>, scalar_prefetch = 0 : i64, scratch_operands = 4 : i64, tpu.core_type = #tpu.core_type<sc_vector_subcore>, window_params = [{transform_indices = #map}, {transform_indices = #map}, {transform_indices = #map}, {transform_indices = #map}]} {
    %mul3A = arith.constant 2 : i32
    %mul3A_0 = arith.muli %arg1, %mul3A : i32
    %add3A = arith.addi %mul3A_0, %arg0 : i32
    %mul3A_1 = arith.constant 512 : i32
    %mul3A_2 = arith.muli %add3A, %mul3A_1 : i32
    "tpu.region"() ({
      %run_scoped3A = tpu.sem_alloc : memref<!tpu.dma_semaphore, #tpu.memory_space<semaphore_mem>>
      tpu.enqueue_dma source(%arg3 : memref<208xf32, #tpu.memory_space<hbm>>) target(%arg7 : memref<208xf32, #tpu.memory_space<vmem>>) target_semaphore(%run_scoped3A : memref<!tpu.dma_semaphore, #tpu.memory_space<semaphore_mem>>)
      tpu.wait_dma2 semaphore(%run_scoped3A : memref<!tpu.dma_semaphore, #tpu.memory_space<semaphore_mem>>) src(%arg3 : memref<208xf32, #tpu.memory_space<hbm>>) dst(%arg7 : memref<208xf32, #tpu.memory_space<vmem>>)
      tpu.yield
    }) : () -> ()
    "tpu.region"() ({
      %run_scoped3A = tpu.sem_alloc : memref<!tpu.dma_semaphore, #tpu.memory_space<semaphore_mem>>
      tpu.enqueue_dma source(%arg4 : memref<216xf32, #tpu.memory_space<hbm>>) target(%arg8 : memref<216xf32, #tpu.memory_space<vmem>>) target_semaphore(%run_scoped3A : memref<!tpu.dma_semaphore, #tpu.memory_space<semaphore_mem>>)
      tpu.wait_dma2 semaphore(%run_scoped3A : memref<!tpu.dma_semaphore, #tpu.memory_space<semaphore_mem>>) src(%arg4 : memref<216xf32, #tpu.memory_space<hbm>>) dst(%arg8 : memref<216xf32, #tpu.memory_space<vmem>>)
      tpu.yield
    }) : () -> ()
    %mul3A_3 = arith.constant 32 : i32
    %mul3A_4 = arith.muli %mul3A_2, %mul3A_3 : i32
    "tpu.region"() ({
      %run_scoped3A = tpu.sem_alloc : memref<!tpu.dma_semaphore, #tpu.memory_space<semaphore_mem>>
      %dma_start3A = tpu.memref_slice %arg2[%mul3A_4] : memref<524288xi32, #tpu.memory_space<hbm>> -> memref<16384xi32, #tpu.memory_space<hbm>>
      %dma_start3A_30 = tpu.memref_slice %arg2[%mul3A_4] : memref<524288xi32, #tpu.memory_space<hbm>> -> memref<16384xi32, #tpu.memory_space<hbm>>
      tpu.enqueue_dma source(%dma_start3A_30 : memref<16384xi32, #tpu.memory_space<hbm>>) target(%arg6 : memref<16384xi32, #tpu.memory_space<vmem>>) target_semaphore(%run_scoped3A : memref<!tpu.dma_semaphore, #tpu.memory_space<semaphore_mem>>)
      %dma_wait3A = tpu.memref_slice %arg2[%mul3A_4] : memref<524288xi32, #tpu.memory_space<hbm>> -> memref<16384xi32, #tpu.memory_space<hbm>>
      %dma_wait3A_31 = tpu.memref_slice %arg2[%mul3A_4] : memref<524288xi32, #tpu.memory_space<hbm>> -> memref<16384xi32, #tpu.memory_space<hbm>>
      tpu.wait_dma2 semaphore(%run_scoped3A : memref<!tpu.dma_semaphore, #tpu.memory_space<semaphore_mem>>) src(%dma_wait3A_31 : memref<16384xi32, #tpu.memory_space<hbm>>) dst(%arg6 : memref<16384xi32, #tpu.memory_space<vmem>>)
      tpu.yield
    }) : () -> ()
    %iota3A = tpu.iota {dimensions = array<i32: 0>} : vector<16xi32>
    %jit3A = arith.constant 8 : i32
    %eq3A = arith.constant 0 : i32
    %eq3A_5 = arith.cmpi eq, %jit3A, %eq3A : i32
    %jit3A_6 = arith.constant 1 : i32
    %select_n3A = arith.select %eq3A_5, %jit3A_6, %jit3A : i32
    %rem3A = vector.broadcast %select_n3A : i32 to vector<16xi32>
    %rem3A_7 = arith.remsi %iota3A, %rem3A : vector<16xi32>
    %ne3A = arith.constant 0 : i32
    %ne3A_8 = vector.broadcast %ne3A : i32 to vector<16xi32>
    %ne3A_9 = arith.cmpi ne, %rem3A_7, %ne3A_8 : vector<16xi32>
    %lt3A = arith.constant 0 : i32
    %lt3A_10 = vector.broadcast %lt3A : i32 to vector<16xi32>
    %lt3A_11 = arith.cmpi slt, %rem3A_7, %lt3A_10 : vector<16xi32>
    %lt3A_12 = arith.constant 0 : i32
    %lt3A_13 = arith.cmpi slt, %select_n3A, %lt3A_12 : i32
    %ne3A_14 = vector.broadcast %lt3A_13 : i1 to vector<16xi1>
    %ne3A_15 = vector.broadcast %ne3A_14 : vector<16xi1> to vector<16xi1>
    %ne3A_16 = arith.xori %lt3A_11, %ne3A_15 : vector<16xi1>
    %and3A = arith.andi %ne3A_16, %ne3A_9 : vector<16xi1>
    %add3A_17 = vector.broadcast %select_n3A : i32 to vector<16xi32>
    %add3A_18 = arith.addi %rem3A_7, %add3A_17 : vector<16xi32>
    %select_n3A_19 = arith.select %and3A, %add3A_18, %rem3A_7 : vector<16xi1>, vector<16xi32>
    %lt3A_20 = arith.constant 8 : i32
    %lt3A_21 = vector.broadcast %lt3A_20 : i32 to vector<16xi32>
    %lt3A_22 = arith.cmpi slt, %iota3A, %lt3A_21 : vector<16xi32>
    %scan3A = arith.constant 0 : i32
    %scan3A_23 = arith.constant 0 : i32
    %scan3A_24 = arith.constant 512 : i32
    %scan3A_25 = arith.addi %scan3A_23, %scan3A_24 : i32
    %scan3A_26 = arith.constant 4 : i32
    scf.for %scan3A_30 = %scan3A_23 to %scan3A_25 step %scan3A_26  : i32 {
      %mul3A_31 = arith.constant 32 : i32
      %mul3A_32 = arith.muli %scan3A_30, %mul3A_31 : i32
      %get3A = arith.index_cast %mul3A_32 : i32 to index
      %get3A_33 = tpu.vector_load %arg6[%get3A] {strides = array<i32>} : memref<16384xi32, #tpu.memory_space<vmem>>, vector<16xi32>,
      %mul3A_34 = arith.constant 32 : i32
      %mul3A_35 = arith.muli %scan3A_30, %mul3A_34 : i32
      %add3A_36 = arith.constant 16 : i32
      %add3A_37 = arith.addi %mul3A_35, %add3A_36 : i32
      %get3A_38 = arith.index_cast %add3A_37 : i32 to index
      %get3A_39 = tpu.vector_load %arg6[%get3A_38] {strides = array<i32>} : memref<16384xi32, #tpu.memory_space<vmem>>, vector<16xi32>,
      %jit3A_40 = arith.constant 0 : i32
      %jit3A_41 = arith.constant 1 : i32
      %broadcast_in_dim3A = vector.broadcast %jit3A_40 : i32 to vector<16xi32>
      %broadcast_in_dim3A_42 = vector.broadcast %jit3A_41 : i32 to vector<16xi32>
      %select_n3A_43 = arith.select %lt3A_22, %broadcast_in_dim3A, %broadcast_in_dim3A_42 : vector<16xi1>, vector<16xi32>
      %broadcast_in_dim3A_44 = vector.shape_cast %select_n3A_43 : vector<16xi32> to vector<16x1xi32>
      %gather3A = vector.shape_cast %broadcast_in_dim3A_44 : vector<16x1xi32> to vector<16xi32>
      %gather3A_45 = tpu.dynamic_gather %get3A_33[%gather3A] in [0] : vector<16xi32>, vector<16xi32> -> vector<16xi32>
      %mul3A_46 = arith.constant 8 : i32
      %mul3A_47 = vector.broadcast %mul3A_46 : i32 to vector<16xi32>
      %mul3A_48 = arith.muli %gather3A_45, %mul3A_47 : vector<16xi32>
      %add3A_49 = arith.addi %mul3A_48, %select_n3A_19 : vector<16xi32>
      %gather3A_50 = tpu.vector_load_idx %arg7[%add3A_49] : memref<208xf32, #tpu.memory_space<vmem>>[vector<16xi32>], vector<16xf32>,
      %jit3A_51 = arith.constant 2 : i32
      %jit3A_52 = arith.constant 3 : i32
      %broadcast_in_dim3A_53 = vector.broadcast %jit3A_51 : i32 to vector<16xi32>
      %broadcast_in_dim3A_54 = vector.broadcast %jit3A_52 : i32 to vector<16xi32>
      %select_n3A_55 = arith.select %lt3A_22, %broadcast_in_dim3A_53, %broadcast_in_dim3A_54 : vector<16xi1>, vector<16xi32>
      %broadcast_in_dim3A_56 = vector.shape_cast %select_n3A_55 : vector<16xi32> to vector<16x1xi32>
      %gather3A_57 = vector.shape_cast %broadcast_in_dim3A_56 : vector<16x1xi32> to vector<16xi32>
      %gather3A_58 = tpu.dynamic_gather %get3A_33[%gather3A_57] in [0] : vector<16xi32>, vector<16xi32> -> vector<16xi32>
      %mul3A_59 = arith.constant 8 : i32
      %mul3A_60 = vector.broadcast %mul3A_59 : i32 to vector<16xi32>
      %mul3A_61 = arith.muli %gather3A_58, %mul3A_60 : vector<16xi32>
      %add3A_62 = arith.addi %mul3A_61, %select_n3A_19 : vector<16xi32>
      %gather3A_63 = tpu.vector_load_idx %arg7[%add3A_62] : memref<208xf32, #tpu.memory_space<vmem>>[vector<16xi32>], vector<16xf32>,
      %jit3A_64 = arith.constant 4 : i32
      %jit3A_65 = arith.constant 4 : i32
      %broadcast_in_dim3A_66 = vector.broadcast %jit3A_64 : i32 to vector<16xi32>
      %broadcast_in_dim3A_67 = vector.broadcast %jit3A_65 : i32 to vector<16xi32>
      %select_n3A_68 = arith.select %lt3A_22, %broadcast_in_dim3A_66, %broadcast_in_dim3A_67 : vector<16xi1>, vector<16xi32>
      %broadcast_in_dim3A_69 = vector.shape_cast %select_n3A_68 : vector<16xi32> to vector<16x1xi32>
      %gather3A_70 = vector.shape_cast %broadcast_in_dim3A_69 : vector<16x1xi32> to vector<16xi32>
      %gather3A_71 = tpu.dynamic_gather %get3A_33[%gather3A_70] in [0] : vector<16xi32>, vector<16xi32> -> vector<16xi32>
      %mul3A_72 = arith.constant 8 : i32
      %mul3A_73 = vector.broadcast %mul3A_72 : i32 to vector<16xi32>
      %mul3A_74 = arith.muli %gather3A_71, %mul3A_73 : vector<16xi32>
      %add3A_75 = arith.addi %mul3A_74, %select_n3A_19 : vector<16xi32>
      %gather3A_76 = tpu.vector_load_idx %arg7[%add3A_75] : memref<208xf32, #tpu.memory_space<vmem>>[vector<16xi32>], vector<16xf32>,
      %jit3A_77 = arith.constant 5 : i32
      %jit3A_78 = arith.constant 6 : i32
      %broadcast_in_dim3A_79 = vector.broadcast %jit3A_77 : i32 to vector<16xi32>
      %broadcast_in_dim3A_80 = vector.broadcast %jit3A_78 : i32 to vector<16xi32>
      %select_n3A_81 = arith.select %lt3A_22, %broadcast_in_dim3A_79, %broadcast_in_dim3A_80 : vector<16xi1>, vector<16xi32>
      %broadcast_in_dim3A_82 = vector.shape_cast %select_n3A_81 : vector<16xi32> to vector<16x1xi32>
      %gather3A_83 = vector.shape_cast %broadcast_in_dim3A_82 : vector<16x1xi32> to vector<16xi32>
      %gather3A_84 = tpu.dynamic_gather %get3A_33[%gather3A_83] in [0] : vector<16xi32>, vector<16xi32> -> vector<16xi32>
      %mul3A_85 = arith.constant 8 : i32
      %mul3A_86 = vector.broadcast %mul3A_85 : i32 to vector<16xi32>
      %mul3A_87 = arith.muli %gather3A_84, %mul3A_86 : vector<16xi32>
      %add3A_88 = arith.addi %mul3A_87, %select_n3A_19 : vector<16xi32>
      %gather3A_89 = tpu.vector_load_idx %arg8[%add3A_88] : memref<216xf32, #tpu.memory_space<vmem>>[vector<16xi32>], vector<16xf32>,
      %jit3A_90 = arith.constant 7 : i32
      %jit3A_91 = arith.constant 8 : i32
      %broadcast_in_dim3A_92 = vector.broadcast %jit3A_90 : i32 to vector<16xi32>
      %broadcast_in_dim3A_93 = vector.broadcast %jit3A_91 : i32 to vector<16xi32>
      %select_n3A_94 = arith.select %lt3A_22, %broadcast_in_dim3A_92, %broadcast_in_dim3A_93 : vector<16xi1>, vector<16xi32>
      %broadcast_in_dim3A_95 = vector.shape_cast %select_n3A_94 : vector<16xi32> to vector<16x1xi32>
      %gather3A_96 = vector.shape_cast %broadcast_in_dim3A_95 : vector<16x1xi32> to vector<16xi32>
      %gather3A_97 = tpu.dynamic_gather %get3A_33[%gather3A_96] in [0] : vector<16xi32>, vector<16xi32> -> vector<16xi32>
      %mul3A_98 = arith.constant 8 : i32
      %mul3A_99 = vector.broadcast %mul3A_98 : i32 to vector<16xi32>
      %mul3A_100 = arith.muli %gather3A_97, %mul3A_99 : vector<16xi32>
      %add3A_101 = arith.addi %mul3A_100, %select_n3A_19 : vector<16xi32>
      %gather3A_102 = tpu.vector_load_idx %arg8[%add3A_101] : memref<216xf32, #tpu.memory_space<vmem>>[vector<16xi32>], vector<16xf32>,
      %jit3A_103 = arith.constant 9 : i32
      %jit3A_104 = arith.constant 9 : i32
      %broadcast_in_dim3A_105 = vector.broadcast %jit3A_103 : i32 to vector<16xi32>
      %broadcast_in_dim3A_106 = vector.broadcast %jit3A_104 : i32 to vector<16xi32>
      %select_n3A_107 = arith.select %lt3A_22, %broadcast_in_dim3A_105, %broadcast_in_dim3A_106 : vector<16xi1>, vector<16xi32>
      %broadcast_in_dim3A_108 = vector.shape_cast %select_n3A_107 : vector<16xi32> to vector<16x1xi32>
      %gather3A_109 = vector.shape_cast %broadcast_in_dim3A_108 : vector<16x1xi32> to vector<16xi32>
      %gather3A_110 = tpu.dynamic_gather %get3A_33[%gather3A_109] in [0] : vector<16xi32>, vector<16xi32> -> vector<16xi32>
      %mul3A_111 = arith.constant 8 : i32
      %mul3A_112 = vector.broadcast %mul3A_111 : i32 to vector<16xi32>
      %mul3A_113 = arith.muli %gather3A_110, %mul3A_112 : vector<16xi32>
      %add3A_114 = arith.addi %mul3A_113, %select_n3A_19 : vector<16xi32>
      %gather3A_115 = tpu.vector_load_idx %arg8[%add3A_114] : memref<216xf32, #tpu.memory_space<vmem>>[vector<16xi32>], vector<16xf32>,
      %jit3A_116 = arith.constant 10 : i32
      %jit3A_117 = arith.constant 11 : i32
      %broadcast_in_dim3A_118 = vector.broadcast %jit3A_116 : i32 to vector<16xi32>
      %broadcast_in_dim3A_119 = vector.broadcast %jit3A_117 : i32 to vector<16xi32>
      %select_n3A_120 = arith.select %lt3A_22, %broadcast_in_dim3A_118, %broadcast_in_dim3A_119 : vector<16xi1>, vector<16xi32>
      %broadcast_in_dim3A_121 = vector.shape_cast %select_n3A_120 : vector<16xi32> to vector<16x1xi32>
      %gather3A_122 = vector.shape_cast %broadcast_in_dim3A_121 : vector<16x1xi32> to vector<16xi32>
      %gather3A_123 = tpu.dynamic_gather %get3A_33[%gather3A_122] in [0] : vector<16xi32>, vector<16xi32> -> vector<16xi32>
      %mul3A_124 = arith.constant 8 : i32
      %mul3A_125 = vector.broadcast %mul3A_124 : i32 to vector<16xi32>
      %mul3A_126 = arith.muli %gather3A_123, %mul3A_125 : vector<16xi32>
      %add3A_127 = arith.addi %mul3A_126, %select_n3A_19 : vector<16xi32>
      %gather3A_128 = tpu.vector_load_idx %arg7[%add3A_127] : memref<208xf32, #tpu.memory_space<vmem>>[vector<16xi32>], vector<16xf32>,
      %jit3A_129 = arith.constant 12 : i32
      %jit3A_130 = arith.constant 13 : i32
      %broadcast_in_dim3A_131 = vector.broadcast %jit3A_129 : i32 to vector<16xi32>
      %broadcast_in_dim3A_132 = vector.broadcast %jit3A_130 : i32 to vector<16xi32>
      %select_n3A_133 = arith.select %lt3A_22, %broadcast_in_dim3A_131, %broadcast_in_dim3A_132 : vector<16xi1>, vector<16xi32>
      %broadcast_in_dim3A_134 = vector.shape_cast %select_n3A_133 : vector<16xi32> to vector<16x1xi32>
      %gather3A_135 = vector.shape_cast %broadcast_in_dim3A_134 : vector<16x1xi32> to vector<16xi32>
      %gather3A_136 = tpu.dynamic_gather %get3A_33[%gather3A_135] in [0] : vector<16xi32>, vector<16xi32> -> vector<16xi32>
      %mul3A_137 = arith.constant 8 : i32
      %mul3A_138 = vector.broadcast %mul3A_137 : i32 to vector<16xi32>
      %mul3A_139 = arith.muli %gather3A_136, %mul3A_138 : vector<16xi32>
      %add3A_140 = arith.addi %mul3A_139, %select_n3A_19 : vector<16xi32>
      %gather3A_141 = tpu.vector_load_idx %arg7[%add3A_140] : memref<208xf32, #tpu.memory_space<vmem>>[vector<16xi32>], vector<16xf32>,
      %jit3A_142 = arith.constant 14 : i32
      %jit3A_143 = arith.constant 15 : i32
      %broadcast_in_dim3A_144 = vector.broadcast %jit3A_142 : i32 to vector<16xi32>
      %broadcast_in_dim3A_145 = vector.broadcast %jit3A_143 : i32 to vector<16xi32>
      %select_n3A_146 = arith.select %lt3A_22, %broadcast_in_dim3A_144, %broadcast_in_dim3A_145 : vector<16xi1>, vector<16xi32>
      %broadcast_in_dim3A_147 = vector.shape_cast %select_n3A_146 : vector<16xi32> to vector<16x1xi32>
      %gather3A_148 = vector.shape_cast %broadcast_in_dim3A_147 : vector<16x1xi32> to vector<16xi32>
      %gather3A_149 = tpu.dynamic_gather %get3A_33[%gather3A_148] in [0] : vector<16xi32>, vector<16xi32> -> vector<16xi32>
      %mul3A_150 = arith.constant 8 : i32
      %mul3A_151 = vector.broadcast %mul3A_150 : i32 to vector<16xi32>
      %mul3A_152 = arith.muli %gather3A_149, %mul3A_151 : vector<16xi32>
      %add3A_153 = arith.addi %mul3A_152, %select_n3A_19 : vector<16xi32>
      %gather3A_154 = tpu.vector_load_idx %arg7[%add3A_153] : memref<208xf32, #tpu.memory_space<vmem>>[vector<16xi32>], vector<16xf32>,
      %jit3A_155 = arith.constant 0 : i32
      %jit3A_156 = arith.constant 1 : i32
      %broadcast_in_dim3A_157 = vector.broadcast %jit3A_155 : i32 to vector<16xi32>
      %broadcast_in_dim3A_158 = vector.broadcast %jit3A_156 : i32 to vector<16xi32>
      %select_n3A_159 = arith.select %lt3A_22, %broadcast_in_dim3A_157, %broadcast_in_dim3A_158 : vector<16xi1>, vector<16xi32>
      %broadcast_in_dim3A_160 = vector.shape_cast %select_n3A_159 : vector<16xi32> to vector<16x1xi32>
      %gather3A_161 = vector.shape_cast %broadcast_in_dim3A_160 : vector<16x1xi32> to vector<16xi32>
      %gather3A_162 = tpu.dynamic_gather %get3A_39[%gather3A_161] in [0] : vector<16xi32>, vector<16xi32> -> vector<16xi32>
      %mul3A_163 = arith.constant 8 : i32
      %mul3A_164 = vector.broadcast %mul3A_163 : i32 to vector<16xi32>
      %mul3A_165 = arith.muli %gather3A_162, %mul3A_164 : vector<16xi32>
      %add3A_166 = arith.addi %mul3A_165, %select_n3A_19 : vector<16xi32>
      %gather3A_167 = tpu.vector_load_idx %arg7[%add3A_166] : memref<208xf32, #tpu.memory_space<vmem>>[vector<16xi32>], vector<16xf32>,
      %jit3A_168 = arith.constant 2 : i32
      %jit3A_169 = arith.constant 3 : i32
      %broadcast_in_dim3A_170 = vector.broadcast %jit3A_168 : i32 to vector<16xi32>
      %broadcast_in_dim3A_171 = vector.broadcast %jit3A_169 : i32 to vector<16xi32>
      %select_n3A_172 = arith.select %lt3A_22, %broadcast_in_dim3A_170, %broadcast_in_dim3A_171 : vector<16xi1>, vector<16xi32>
      %broadcast_in_dim3A_173 = vector.shape_cast %select_n3A_172 : vector<16xi32> to vector<16x1xi32>
      %gather3A_174 = vector.shape_cast %broadcast_in_dim3A_173 : vector<16x1xi32> to vector<16xi32>
      %gather3A_175 = tpu.dynamic_gather %get3A_39[%gather3A_174] in [0] : vector<16xi32>, vector<16xi32> -> vector<16xi32>
      %mul3A_176 = arith.constant 8 : i32
      %mul3A_177 = vector.broadcast %mul3A_176 : i32 to vector<16xi32>
      %mul3A_178 = arith.muli %gather3A_175, %mul3A_177 : vector<16xi32>
      %add3A_179 = arith.addi %mul3A_178, %select_n3A_19 : vector<16xi32>
      %gather3A_180 = tpu.vector_load_idx %arg7[%add3A_179] : memref<208xf32, #tpu.memory_space<vmem>>[vector<16xi32>], vector<16xf32>,
      %add3A_181 = arith.addf %gather3A_128, %gather3A_141 : vector<16xf32>
      %add3A_182 = arith.addf %add3A_181, %gather3A_154 : vector<16xf32>
      %add3A_183 = arith.addf %add3A_182, %gather3A_167 : vector<16xf32>
      %add3A_184 = arith.addf %add3A_183, %gather3A_180 : vector<16xf32>
      %add3A_185 = arith.constant 8 : i32
      %add3A_186 = vector.broadcast %add3A_185 : i32 to vector<16xi32>
      %add3A_187 = arith.addi %select_n3A_19, %add3A_186 : vector<16xi32>
      %broadcast_in_dim3A_188 = vector.shape_cast %add3A_187 : vector<16xi32> to vector<16x1xi32>
      %gather3A_189 = vector.shape_cast %broadcast_in_dim3A_188 : vector<16x1xi32> to vector<16xi32>
      %gather3A_190 = tpu.dynamic_gather %add3A_184[%gather3A_189] in [0] : vector<16xf32>, vector<16xi32> -> vector<16xf32>
      %add3A_191 = arith.addf %add3A_184, %gather3A_190 : vector<16xf32>
      %mul3A_192 = arith.constant 1.000000e-01 : f32
      %mul3A_193 = vector.broadcast %mul3A_192 : f32 to vector<16xf32>
      %mul3A_194 = arith.mulf %add3A_191, %mul3A_193 : vector<16xf32>
      %jit3A_195 = arith.constant 4 : i32
      %jit3A_196 = arith.constant 5 : i32
      %broadcast_in_dim3A_197 = vector.broadcast %jit3A_195 : i32 to vector<16xi32>
      %broadcast_in_dim3A_198 = vector.broadcast %jit3A_196 : i32 to vector<16xi32>
      %select_n3A_199 = arith.select %lt3A_22, %broadcast_in_dim3A_197, %broadcast_in_dim3A_198 : vector<16xi1>, vector<16xi32>
      %broadcast_in_dim3A_200 = vector.shape_cast %select_n3A_199 : vector<16xi32> to vector<16x1xi32>
      %gather3A_201 = vector.shape_cast %broadcast_in_dim3A_200 : vector<16x1xi32> to vector<16xi32>
      %gather3A_202 = tpu.dynamic_gather %get3A_39[%gather3A_201] in [0] : vector<16xi32>, vector<16xi32> -> vector<16xi32>
      %mul3A_203 = arith.constant 8 : i32
      %mul3A_204 = vector.broadcast %mul3A_203 : i32 to vector<16xi32>
      %mul3A_205 = arith.muli %gather3A_202, %mul3A_204 : vector<16xi32>
      %add3A_206 = arith.addi %mul3A_205, %select_n3A_19 : vector<16xi32>
      %gather3A_207 = tpu.vector_load_idx %arg7[%add3A_206] : memref<208xf32, #tpu.memory_space<vmem>>[vector<16xi32>], vector<16xf32>,
      %jit3A_208 = arith.constant 6 : i32
      %jit3A_209 = arith.constant 7 : i32
      %broadcast_in_dim3A_210 = vector.broadcast %jit3A_208 : i32 to vector<16xi32>
      %broadcast_in_dim3A_211 = vector.broadcast %jit3A_209 : i32 to vector<16xi32>
      %select_n3A_212 = arith.select %lt3A_22, %broadcast_in_dim3A_210, %broadcast_in_dim3A_211 : vector<16xi1>, vector<16xi32>
      %broadcast_in_dim3A_213 = vector.shape_cast %select_n3A_212 : vector<16xi32> to vector<16x1xi32>
      %gather3A_214 = vector.shape_cast %broadcast_in_dim3A_213 : vector<16x1xi32> to vector<16xi32>
      %gather3A_215 = tpu.dynamic_gather %get3A_39[%gather3A_214] in [0] : vector<16xi32>, vector<16xi32> -> vector<16xi32>
      %mul3A_216 = arith.constant 8 : i32
      %mul3A_217 = vector.broadcast %mul3A_216 : i32 to vector<16xi32>
      %mul3A_218 = arith.muli %gather3A_215, %mul3A_217 : vector<16xi32>
      %add3A_219 = arith.addi %mul3A_218, %select_n3A_19 : vector<16xi32>
      %gather3A_220 = tpu.vector_load_idx %arg7[%add3A_219] : memref<208xf32, #tpu.memory_space<vmem>>[vector<16xi32>], vector<16xf32>,
      %jit3A_221 = arith.constant 8 : i32
      %jit3A_222 = arith.constant 9 : i32
      %broadcast_in_dim3A_223 = vector.broadcast %jit3A_221 : i32 to vector<16xi32>
      %broadcast_in_dim3A_224 = vector.broadcast %jit3A_222 : i32 to vector<16xi32>
      %select_n3A_225 = arith.select %lt3A_22, %broadcast_in_dim3A_223, %broadcast_in_dim3A_224 : vector<16xi1>, vector<16xi32>
      %broadcast_in_dim3A_226 = vector.shape_cast %select_n3A_225 : vector<16xi32> to vector<16x1xi32>
      %gather3A_227 = vector.shape_cast %broadcast_in_dim3A_226 : vector<16x1xi32> to vector<16xi32>
      %gather3A_228 = tpu.dynamic_gather %get3A_39[%gather3A_227] in [0] : vector<16xi32>, vector<16xi32> -> vector<16xi32>
      %mul3A_229 = arith.constant 8 : i32
      %mul3A_230 = vector.broadcast %mul3A_229 : i32 to vector<16xi32>
      %mul3A_231 = arith.muli %gather3A_228, %mul3A_230 : vector<16xi32>
      %add3A_232 = arith.addi %mul3A_231, %select_n3A_19 : vector<16xi32>
      %gather3A_233 = tpu.vector_load_idx %arg7[%add3A_232] : memref<208xf32, #tpu.memory_space<vmem>>[vector<16xi32>], vector<16xf32>,
      %jit3A_234 = arith.constant 10 : i32
      %jit3A_235 = arith.constant 11 : i32
      %broadcast_in_dim3A_236 = vector.broadcast %jit3A_234 : i32 to vector<16xi32>
      %broadcast_in_dim3A_237 = vector.broadcast %jit3A_235 : i32 to vector<16xi32>
      %select_n3A_238 = arith.select %lt3A_22, %broadcast_in_dim3A_236, %broadcast_in_dim3A_237 : vector<16xi1>, vector<16xi32>
      %broadcast_in_dim3A_239 = vector.shape_cast %select_n3A_238 : vector<16xi32> to vector<16x1xi32>
      %gather3A_240 = vector.shape_cast %broadcast_in_dim3A_239 : vector<16x1xi32> to vector<16xi32>
      %gather3A_241 = tpu.dynamic_gather %get3A_39[%gather3A_240] in [0] : vector<16xi32>, vector<16xi32> -> vector<16xi32>
      %mul3A_242 = arith.constant 8 : i32
      %mul3A_243 = vector.broadcast %mul3A_242 : i32 to vector<16xi32>
      %mul3A_244 = arith.muli %gather3A_241, %mul3A_243 : vector<16xi32>
      %add3A_245 = arith.addi %mul3A_244, %select_n3A_19 : vector<16xi32>
      %gather3A_246 = tpu.vector_load_idx %arg7[%add3A_245] : memref<208xf32, #tpu.memory_space<vmem>>[vector<16xi32>], vector<16xf32>,
      %jit3A_247 = arith.constant 12 : i32
      %jit3A_248 = arith.constant 13 : i32
      %broadcast_in_dim3A_249 = vector.broadcast %jit3A_247 : i32 to vector<16xi32>
      %broadcast_in_dim3A_250 = vector.broadcast %jit3A_248 : i32 to vector<16xi32>
      %select_n3A_251 = arith.select %lt3A_22, %broadcast_in_dim3A_249, %broadcast_in_dim3A_250 : vector<16xi1>, vector<16xi32>
      %broadcast_in_dim3A_252 = vector.shape_cast %select_n3A_251 : vector<16xi32> to vector<16x1xi32>
      %gather3A_253 = vector.shape_cast %broadcast_in_dim3A_252 : vector<16x1xi32> to vector<16xi32>
      %gather3A_254 = tpu.dynamic_gather %get3A_39[%gather3A_253] in [0] : vector<16xi32>, vector<16xi32> -> vector<16xi32>
      %mul3A_255 = arith.constant 8 : i32
      %mul3A_256 = vector.broadcast %mul3A_255 : i32 to vector<16xi32>
      %mul3A_257 = arith.muli %gather3A_254, %mul3A_256 : vector<16xi32>
      %add3A_258 = arith.addi %mul3A_257, %select_n3A_19 : vector<16xi32>
      %gather3A_259 = tpu.vector_load_idx %arg7[%add3A_258] : memref<208xf32, #tpu.memory_space<vmem>>[vector<16xi32>], vector<16xf32>,
      %add3A_260 = arith.addf %gather3A_207, %gather3A_220 : vector<16xf32>
      %add3A_261 = arith.addf %add3A_260, %gather3A_233 : vector<16xf32>
      %add3A_262 = arith.addf %add3A_261, %gather3A_246 : vector<16xf32>
      %add3A_263 = arith.addf %add3A_262, %gather3A_259 : vector<16xf32>
      %add3A_264 = arith.constant 8 : i32
      %add3A_265 = vector.broadcast %add3A_264 : i32 to vector<16xi32>
      %add3A_266 = arith.addi %select_n3A_19, %add3A_265 : vector<16xi32>
      %broadcast_in_dim3A_267 = vector.shape_cast %add3A_266 : vector<16xi32> to vector<16x1xi32>
      %gather3A_268 = vector.shape_cast %broadcast_in_dim3A_267 : vector<16x1xi32> to vector<16xi32>
      %gather3A_269 = tpu.dynamic_gather %add3A_263[%gather3A_268] in [0] : vector<16xf32>, vector<16xi32> -> vector<16xf32>
      %add3A_270 = arith.addf %add3A_263, %gather3A_269 : vector<16xf32>
      %mul3A_271 = arith.constant 1.000000e-01 : f32
      %mul3A_272 = vector.broadcast %mul3A_271 : f32 to vector<16xf32>
      %mul3A_273 = arith.mulf %add3A_270, %mul3A_272 : vector<16xf32>
      %broadcast_in_dim3A_274 = vector.shape_cast %select_n3A_19 : vector<16xi32> to vector<16x1xi32>
      %gather3A_275 = vector.shape_cast %broadcast_in_dim3A_274 : vector<16x1xi32> to vector<16xi32>
      %gather3A_276 = tpu.dynamic_gather %mul3A_194[%gather3A_275] in [0] : vector<16xf32>, vector<16xi32> -> vector<16xf32>
      %broadcast_in_dim3A_277 = vector.shape_cast %select_n3A_19 : vector<16xi32> to vector<16x1xi32>
      %gather3A_278 = vector.shape_cast %broadcast_in_dim3A_277 : vector<16x1xi32> to vector<16xi32>
      %gather3A_279 = tpu.dynamic_gather %mul3A_273[%gather3A_278] in [0] : vector<16xf32>, vector<16xi32> -> vector<16xf32>
      %mul3A_280 = arith.constant 96 : i32
      %mul3A_281 = arith.muli %scan3A_30, %mul3A_280 : i32
      %swap3A = arith.index_cast %mul3A_281 : i32 to index
      %swap3A_282 = tpu.vector_load %arg9[%swap3A] {strides = array<i32>} : memref<49152xf32, #tpu.memory_space<vmem>>, vector<16xf32>,
      tpu.vector_store %arg9[%swap3A], %gather3A_50 {strides = array<i32>} : memref<49152xf32, #tpu.memory_space<vmem>>, vector<16xf32>,
      %mul3A_283 = arith.constant 96 : i32
      %mul3A_284 = arith.muli %scan3A_30, %mul3A_283 : i32
      %add3A_285 = arith.constant 16 : i32
      %add3A_286 = arith.addi %mul3A_284, %add3A_285 : i32
      %swap3A_287 = arith.index_cast %add3A_286 : i32 to index
      %swap3A_288 = tpu.vector_load %arg9[%swap3A_287] {strides = array<i32>} : memref<49152xf32, #tpu.memory_space<vmem>>, vector<16xf32>,
      tpu.vector_store %arg9[%swap3A_287], %gather3A_63 {strides = array<i32>} : memref<49152xf32, #tpu.memory_space<vmem>>, vector<16xf32>,
      %select_n3A_289 = arith.select %lt3A_22, %gather3A_76, %gather3A_276 : vector<16xi1>, vector<16xf32>
      %mul3A_290 = arith.constant 96 : i32
      %mul3A_291 = arith.muli %scan3A_30, %mul3A_290 : i32
      %add3A_292 = arith.constant 32 : i32
      %add3A_293 = arith.addi %mul3A_291, %add3A_292 : i32
      %swap3A_294 = arith.index_cast %add3A_293 : i32 to index
      %swap3A_295 = tpu.vector_load %arg9[%swap3A_294] {strides = array<i32>} : memref<49152xf32, #tpu.memory_space<vmem>>, vector<16xf32>,
      tpu.vector_store %arg9[%swap3A_294], %select_n3A_289 {strides = array<i32>} : memref<49152xf32, #tpu.memory_space<vmem>>, vector<16xf32>,
      %mul3A_296 = arith.constant 96 : i32
      %mul3A_297 = arith.muli %scan3A_30, %mul3A_296 : i32
      %add3A_298 = arith.constant 48 : i32
      %add3A_299 = arith.addi %mul3A_297, %add3A_298 : i32
      %swap3A_300 = arith.index_cast %add3A_299 : i32 to index
      %swap3A_301 = tpu.vector_load %arg9[%swap3A_300] {strides = array<i32>} : memref<49152xf32, #tpu.memory_space<vmem>>, vector<16xf32>,
      tpu.vector_store %arg9[%swap3A_300], %gather3A_89 {strides = array<i32>} : memref<49152xf32, #tpu.memory_space<vmem>>, vector<16xf32>,
      %mul3A_302 = arith.constant 96 : i32
      %mul3A_303 = arith.muli %scan3A_30, %mul3A_302 : i32
      %add3A_304 = arith.constant 64 : i32
      %add3A_305 = arith.addi %mul3A_303, %add3A_304 : i32
      %swap3A_306 = arith.index_cast %add3A_305 : i32 to index
      %swap3A_307 = tpu.vector_load %arg9[%swap3A_306] {strides = array<i32>} : memref<49152xf32, #tpu.memory_space<vmem>>, vector<16xf32>,
      tpu.vector_store %arg9[%swap3A_306], %gather3A_102 {strides = array<i32>} : memref<49152xf32, #tpu.memory_space<vmem>>, vector<16xf32>,
      %select_n3A_308 = arith.select %lt3A_22, %gather3A_115, %gather3A_279 : vector<16xi1>, vector<16xf32>
      %mul3A_309 = arith.constant 96 : i32
      %mul3A_310 = arith.muli %scan3A_30, %mul3A_309 : i32
      %add3A_311 = arith.constant 80 : i32
      %add3A_312 = arith.addi %mul3A_310, %add3A_311 : i32
      %swap3A_313 = arith.index_cast %add3A_312 : i32 to index
      %swap3A_314 = tpu.vector_load %arg9[%swap3A_313] {strides = array<i32>} : memref<49152xf32, #tpu.memory_space<vmem>>, vector<16xf32>,
      tpu.vector_store %arg9[%swap3A_313], %select_n3A_308 {strides = array<i32>} : memref<49152xf32, #tpu.memory_space<vmem>>, vector<16xf32>,
      %scan3A_315 = arith.constant 1 : i32
      %scan3A_316 = arith.addi %scan3A_30, %scan3A_315 : i32
      %mul3A_317 = arith.constant 32 : i32
      %mul3A_318 = arith.muli %scan3A_316, %mul3A_317 : i32
      %get3A_319 = arith.index_cast %mul3A_318 : i32 to index
      %get3A_320 = tpu.vector_load %arg6[%get3A_319] {strides = array<i32>} : memref<16384xi32, #tpu.memory_space<vmem>>, vector<16xi32>,
      %mul3A_321 = arith.constant 32 : i32
      %mul3A_322 = arith.muli %scan3A_316, %mul3A_321 : i32
      %add3A_323 = arith.constant 16 : i32
      %add3A_324 = arith.addi %mul3A_322, %add3A_323 : i32
      %get3A_325 = arith.index_cast %add3A_324 : i32 to index
      %get3A_326 = tpu.vector_load %arg6[%get3A_325] {strides = array<i32>} : memref<16384xi32, #tpu.memory_space<vmem>>, vector<16xi32>,
      %jit3A_327 = arith.constant 0 : i32
      %jit3A_328 = arith.constant 1 : i32
      %broadcast_in_dim3A_329 = vector.broadcast %jit3A_327 : i32 to vector<16xi32>
      %broadcast_in_dim3A_330 = vector.broadcast %jit3A_328 : i32 to vector<16xi32>
      %select_n3A_331 = arith.select %lt3A_22, %broadcast_in_dim3A_329, %broadcast_in_dim3A_330 : vector<16xi1>, vector<16xi32>
      %broadcast_in_dim3A_332 = vector.shape_cast %select_n3A_331 : vector<16xi32> to vector<16x1xi32>
      %gather3A_333 = vector.shape_cast %broadcast_in_dim3A_332 : vector<16x1xi32> to vector<16xi32>
      %gather3A_334 = tpu.dynamic_gather %get3A_320[%gather3A_333] in [0] : vector<16xi32>, vector<16xi32> -> vector<16xi32>
      %mul3A_335 = arith.constant 8 : i32
      %mul3A_336 = vector.broadcast %mul3A_335 : i32 to vector<16xi32>
      %mul3A_337 = arith.muli %gather3A_334, %mul3A_336 : vector<16xi32>
      %add3A_338 = arith.addi %mul3A_337, %select_n3A_19 : vector<16xi32>
      %gather3A_339 = tpu.vector_load_idx %arg7[%add3A_338] : memref<208xf32, #tpu.memory_space<vmem>>[vector<16xi32>], vector<16xf32>,
      %jit3A_340 = arith.constant 2 : i32
      %jit3A_341 = arith.constant 3 : i32
      %broadcast_in_dim3A_342 = vector.broadcast %jit3A_340 : i32 to vector<16xi32>
      %broadcast_in_dim3A_343 = vector.broadcast %jit3A_341 : i32 to vector<16xi32>
      %select_n3A_344 = arith.select %lt3A_22, %broadcast_in_dim3A_342, %broadcast_in_dim3A_343 : vector<16xi1>, vector<16xi32>
      %broadcast_in_dim3A_345 = vector.shape_cast %select_n3A_344 : vector<16xi32> to vector<16x1xi32>
      %gather3A_346 = vector.shape_cast %broadcast_in_dim3A_345 : vector<16x1xi32> to vector<16xi32>
      %gather3A_347 = tpu.dynamic_gather %get3A_320[%gather3A_346] in [0] : vector<16xi32>, vector<16xi32> -> vector<16xi32>
      %mul3A_348 = arith.constant 8 : i32
      %mul3A_349 = vector.broadcast %mul3A_348 : i32 to vector<16xi32>
      %mul3A_350 = arith.muli %gather3A_347, %mul3A_349 : vector<16xi32>
      %add3A_351 = arith.addi %mul3A_350, %select_n3A_19 : vector<16xi32>
      %gather3A_352 = tpu.vector_load_idx %arg7[%add3A_351] : memref<208xf32, #tpu.memory_space<vmem>>[vector<16xi32>], vector<16xf32>,
      %jit3A_353 = arith.constant 4 : i32
      %jit3A_354 = arith.constant 4 : i32
      %broadcast_in_dim3A_355 = vector.broadcast %jit3A_353 : i32 to vector<16xi32>
      %broadcast_in_dim3A_356 = vector.broadcast %jit3A_354 : i32 to vector<16xi32>
      %select_n3A_357 = arith.select %lt3A_22, %broadcast_in_dim3A_355, %broadcast_in_dim3A_356 : vector<16xi1>, vector<16xi32>
      %broadcast_in_dim3A_358 = vector.shape_cast %select_n3A_357 : vector<16xi32> to vector<16x1xi32>
      %gather3A_359 = vector.shape_cast %broadcast_in_dim3A_358 : vector<16x1xi32> to vector<16xi32>
      %gather3A_360 = tpu.dynamic_gather %get3A_320[%gather3A_359] in [0] : vector<16xi32>, vector<16xi32> -> vector<16xi32>
      %mul3A_361 = arith.constant 8 : i32
      %mul3A_362 = vector.broadcast %mul3A_361 : i32 to vector<16xi32>
      %mul3A_363 = arith.muli %gather3A_360, %mul3A_362 : vector<16xi32>
      %add3A_364 = arith.addi %mul3A_363, %select_n3A_19 : vector<16xi32>
      %gather3A_365 = tpu.vector_load_idx %arg7[%add3A_364] : memref<208xf32, #tpu.memory_space<vmem>>[vector<16xi32>], vector<16xf32>,
      %jit3A_366 = arith.constant 5 : i32
      %jit3A_367 = arith.constant 6 : i32
      %broadcast_in_dim3A_368 = vector.broadcast %jit3A_366 : i32 to vector<16xi32>
      %broadcast_in_dim3A_369 = vector.broadcast %jit3A_367 : i32 to vector<16xi32>
      %select_n3A_370 = arith.select %lt3A_22, %broadcast_in_dim3A_368, %broadcast_in_dim3A_369 : vector<16xi1>, vector<16xi32>
      %broadcast_in_dim3A_371 = vector.shape_cast %select_n3A_370 : vector<16xi32> to vector<16x1xi32>
      %gather3A_372 = vector.shape_cast %broadcast_in_dim3A_371 : vector<16x1xi32> to vector<16xi32>
      %gather3A_373 = tpu.dynamic_gather %get3A_320[%gather3A_372] in [0] : vector<16xi32>, vector<16xi32> -> vector<16xi32>
      %mul3A_374 = arith.constant 8 : i32
      %mul3A_375 = vector.broadcast %mul3A_374 : i32 to vector<16xi32>
      %mul3A_376 = arith.muli %gather3A_373, %mul3A_375 : vector<16xi32>
      %add3A_377 = arith.addi %mul3A_376, %select_n3A_19 : vector<16xi32>
      %gather3A_378 = tpu.vector_load_idx %arg8[%add3A_377] : memref<216xf32, #tpu.memory_space<vmem>>[vector<16xi32>], vector<16xf32>,
      %jit3A_379 = arith.constant 7 : i32
      %jit3A_380 = arith.constant 8 : i32
      %broadcast_in_dim3A_381 = vector.broadcast %jit3A_379 : i32 to vector<16xi32>
      %broadcast_in_dim3A_382 = vector.broadcast %jit3A_380 : i32 to vector<16xi32>
      %select_n3A_383 = arith.select %lt3A_22, %broadcast_in_dim3A_381, %broadcast_in_dim3A_382 : vector<16xi1>, vector<16xi32>
      %broadcast_in_dim3A_384 = vector.shape_cast %select_n3A_383 : vector<16xi32> to vector<16x1xi32>
      %gather3A_385 = vector.shape_cast %broadcast_in_dim3A_384 : vector<16x1xi32> to vector<16xi32>
      %gather3A_386 = tpu.dynamic_gather %get3A_320[%gather3A_385] in [0] : vector<16xi32>, vector<16xi32> -> vector<16xi32>
      %mul3A_387 = arith.constant 8 : i32
      %mul3A_388 = vector.broadcast %mul3A_387 : i32 to vector<16xi32>
      %mul3A_389 = arith.muli %gather3A_386, %mul3A_388 : vector<16xi32>
      %add3A_390 = arith.addi %mul3A_389, %select_n3A_19 : vector<16xi32>
      %gather3A_391 = tpu.vector_load_idx %arg8[%add3A_390] : memref<216xf32, #tpu.memory_space<vmem>>[vector<16xi32>], vector<16xf32>,
      %jit3A_392 = arith.constant 9 : i32
      %jit3A_393 = arith.constant 9 : i32
      %broadcast_in_dim3A_394 = vector.broadcast %jit3A_392 : i32 to vector<16xi32>
      %broadcast_in_dim3A_395 = vector.broadcast %jit3A_393 : i32 to vector<16xi32>
      %select_n3A_396 = arith.select %lt3A_22, %broadcast_in_dim3A_394, %broadcast_in_dim3A_395 : vector<16xi1>, vector<16xi32>
      %broadcast_in_dim3A_397 = vector.shape_cast %select_n3A_396 : vector<16xi32> to vector<16x1xi32>
      %gather3A_398 = vector.shape_cast %broadcast_in_dim3A_397 : vector<16x1xi32> to vector<16xi32>
      %gather3A_399 = tpu.dynamic_gather %get3A_320[%gather3A_398] in [0] : vector<16xi32>, vector<16xi32> -> vector<16xi32>
      %mul3A_400 = arith.constant 8 : i32
      %mul3A_401 = vector.broadcast %mul3A_400 : i32 to vector<16xi32>
      %mul3A_402 = arith.muli %gather3A_399, %mul3A_401 : vector<16xi32>
      %add3A_403 = arith.addi %mul3A_402, %select_n3A_19 : vector<16xi32>
      %gather3A_404 = tpu.vector_load_idx %arg8[%add3A_403] : memref<216xf32, #tpu.memory_space<vmem>>[vector<16xi32>], vector<16xf32>,
      %jit3A_405 = arith.constant 10 : i32
      %jit3A_406 = arith.constant 11 : i32
      %broadcast_in_dim3A_407 = vector.broadcast %jit3A_405 : i32 to vector<16xi32>
      %broadcast_in_dim3A_408 = vector.broadcast %jit3A_406 : i32 to vector<16xi32>
      %select_n3A_409 = arith.select %lt3A_22, %broadcast_in_dim3A_407, %broadcast_in_dim3A_408 : vector<16xi1>, vector<16xi32>
      %broadcast_in_dim3A_410 = vector.shape_cast %select_n3A_409 : vector<16xi32> to vector<16x1xi32>
      %gather3A_411 = vector.shape_cast %broadcast_in_dim3A_410 : vector<16x1xi32> to vector<16xi32>
      %gather3A_412 = tpu.dynamic_gather %get3A_320[%gather3A_411] in [0] : vector<16xi32>, vector<16xi32> -> vector<16xi32>
      %mul3A_413 = arith.constant 8 : i32
      %mul3A_414 = vector.broadcast %mul3A_413 : i32 to vector<16xi32>
      %mul3A_415 = arith.muli %gather3A_412, %mul3A_414 : vector<16xi32>
      %add3A_416 = arith.addi %mul3A_415, %select_n3A_19 : vector<16xi32>
      %gather3A_417 = tpu.vector_load_idx %arg7[%add3A_416] : memref<208xf32, #tpu.memory_space<vmem>>[vector<16xi32>], vector<16xf32>,
      %jit3A_418 = arith.constant 12 : i32
      %jit3A_419 = arith.constant 13 : i32
      %broadcast_in_dim3A_420 = vector.broadcast %jit3A_418 : i32 to vector<16xi32>
      %broadcast_in_dim3A_421 = vector.broadcast %jit3A_419 : i32 to vector<16xi32>
      %select_n3A_422 = arith.select %lt3A_22, %broadcast_in_dim3A_420, %broadcast_in_dim3A_421 : vector<16xi1>, vector<16xi32>
      %broadcast_in_dim3A_423 = vector.shape_cast %select_n3A_422 : vector<16xi32> to vector<16x1xi32>
      %gather3A_424 = vector.shape_cast %broadcast_in_dim3A_423 : vector<16x1xi32> to vector<16xi32>
      %gather3A_425 = tpu.dynamic_gather %get3A_320[%gather3A_424] in [0] : vector<16xi32>, vector<16xi32> -> vector<16xi32>
      %mul3A_426 = arith.constant 8 : i32
      %mul3A_427 = vector.broadcast %mul3A_426 : i32 to vector<16xi32>
      %mul3A_428 = arith.muli %gather3A_425, %mul3A_427 : vector<16xi32>
      %add3A_429 = arith.addi %mul3A_428, %select_n3A_19 : vector<16xi32>
      %gather3A_430 = tpu.vector_load_idx %arg7[%add3A_429] : memref<208xf32, #tpu.memory_space<vmem>>[vector<16xi32>], vector<16xf32>,
      %jit3A_431 = arith.constant 14 : i32
      %jit3A_432 = arith.constant 15 : i32
      %broadcast_in_dim3A_433 = vector.broadcast %jit3A_431 : i32 to vector<16xi32>
      %broadcast_in_dim3A_434 = vector.broadcast %jit3A_432 : i32 to vector<16xi32>
      %select_n3A_435 = arith.select %lt3A_22, %broadcast_in_dim3A_433, %broadcast_in_dim3A_434 : vector<16xi1>, vector<16xi32>
      %broadcast_in_dim3A_436 = vector.shape_cast %select_n3A_435 : vector<16xi32> to vector<16x1xi32>
      %gather3A_437 = vector.shape_cast %broadcast_in_dim3A_436 : vector<16x1xi32> to vector<16xi32>
      %gather3A_438 = tpu.dynamic_gather %get3A_320[%gather3A_437] in [0] : vector<16xi32>, vector<16xi32> -> vector<16xi32>
      %mul3A_439 = arith.constant 8 : i32
      %mul3A_440 = vector.broadcast %mul3A_439 : i32 to vector<16xi32>
      %mul3A_441 = arith.muli %gather3A_438, %mul3A_440 : vector<16xi32>
      %add3A_442 = arith.addi %mul3A_441, %select_n3A_19 : vector<16xi32>
      %gather3A_443 = tpu.vector_load_idx %arg7[%add3A_442] : memref<208xf32, #tpu.memory_space<vmem>>[vector<16xi32>], vector<16xf32>,
      %jit3A_444 = arith.constant 0 : i32
      %jit3A_445 = arith.constant 1 : i32
      %broadcast_in_dim3A_446 = vector.broadcast %jit3A_444 : i32 to vector<16xi32>
      %broadcast_in_dim3A_447 = vector.broadcast %jit3A_445 : i32 to vector<16xi32>
      %select_n3A_448 = arith.select %lt3A_22, %broadcast_in_dim3A_446, %broadcast_in_dim3A_447 : vector<16xi1>, vector<16xi32>
      %broadcast_in_dim3A_449 = vector.shape_cast %select_n3A_448 : vector<16xi32> to vector<16x1xi32>
      %gather3A_450 = vector.shape_cast %broadcast_in_dim3A_449 : vector<16x1xi32> to vector<16xi32>
      %gather3A_451 = tpu.dynamic_gather %get3A_326[%gather3A_450] in [0] : vector<16xi32>, vector<16xi32> -> vector<16xi32>
      %mul3A_452 = arith.constant 8 : i32
      %mul3A_453 = vector.broadcast %mul3A_452 : i32 to vector<16xi32>
      %mul3A_454 = arith.muli %gather3A_451, %mul3A_453 : vector<16xi32>
      %add3A_455 = arith.addi %mul3A_454, %select_n3A_19 : vector<16xi32>
      %gather3A_456 = tpu.vector_load_idx %arg7[%add3A_455] : memref<208xf32, #tpu.memory_space<vmem>>[vector<16xi32>], vector<16xf32>,
      %jit3A_457 = arith.constant 2 : i32
      %jit3A_458 = arith.constant 3 : i32
      %broadcast_in_dim3A_459 = vector.broadcast %jit3A_457 : i32 to vector<16xi32>
      %broadcast_in_dim3A_460 = vector.broadcast %jit3A_458 : i32 to vector<16xi32>
      %select_n3A_461 = arith.select %lt3A_22, %broadcast_in_dim3A_459, %broadcast_in_dim3A_460 : vector<16xi1>, vector<16xi32>
      %broadcast_in_dim3A_462 = vector.shape_cast %select_n3A_461 : vector<16xi32> to vector<16x1xi32>
      %gather3A_463 = vector.shape_cast %broadcast_in_dim3A_462 : vector<16x1xi32> to vector<16xi32>
      %gather3A_464 = tpu.dynamic_gather %get3A_326[%gather3A_463] in [0] : vector<16xi32>, vector<16xi32> -> vector<16xi32>
      %mul3A_465 = arith.constant 8 : i32
      %mul3A_466 = vector.broadcast %mul3A_465 : i32 to vector<16xi32>
      %mul3A_467 = arith.muli %gather3A_464, %mul3A_466 : vector<16xi32>
      %add3A_468 = arith.addi %mul3A_467, %select_n3A_19 : vector<16xi32>
      %gather3A_469 = tpu.vector_load_idx %arg7[%add3A_468] : memref<208xf32, #tpu.memory_space<vmem>>[vector<16xi32>], vector<16xf32>,
      %add3A_470 = arith.addf %gather3A_417, %gather3A_430 : vector<16xf32>
      %add3A_471 = arith.addf %add3A_470, %gather3A_443 : vector<16xf32>
      %add3A_472 = arith.addf %add3A_471, %gather3A_456 : vector<16xf32>
      %add3A_473 = arith.addf %add3A_472, %gather3A_469 : vector<16xf32>
      %add3A_474 = arith.constant 8 : i32
      %add3A_475 = vector.broadcast %add3A_474 : i32 to vector<16xi32>
      %add3A_476 = arith.addi %select_n3A_19, %add3A_475 : vector<16xi32>
      %broadcast_in_dim3A_477 = vector.shape_cast %add3A_476 : vector<16xi32> to vector<16x1xi32>
      %gather3A_478 = vector.shape_cast %broadcast_in_dim3A_477 : vector<16x1xi32> to vector<16xi32>
      %gather3A_479 = tpu.dynamic_gather %add3A_473[%gather3A_478] in [0] : vector<16xf32>, vector<16xi32> -> vector<16xf32>
      %add3A_480 = arith.addf %add3A_473, %gather3A_479 : vector<16xf32>
      %mul3A_481 = arith.constant 1.000000e-01 : f32
      %mul3A_482 = vector.broadcast %mul3A_481 : f32 to vector<16xf32>
      %mul3A_483 = arith.mulf %add3A_480, %mul3A_482 : vector<16xf32>
      %jit3A_484 = arith.constant 4 : i32
      %jit3A_485 = arith.constant 5 : i32
      %broadcast_in_dim3A_486 = vector.broadcast %jit3A_484 : i32 to vector<16xi32>
      %broadcast_in_dim3A_487 = vector.broadcast %jit3A_485 : i32 to vector<16xi32>
      %select_n3A_488 = arith.select %lt3A_22, %broadcast_in_dim3A_486, %broadcast_in_dim3A_487 : vector<16xi1>, vector<16xi32>
      %broadcast_in_dim3A_489 = vector.shape_cast %select_n3A_488 : vector<16xi32> to vector<16x1xi32>
      %gather3A_490 = vector.shape_cast %broadcast_in_dim3A_489 : vector<16x1xi32> to vector<16xi32>
      %gather3A_491 = tpu.dynamic_gather %get3A_326[%gather3A_490] in [0] : vector<16xi32>, vector<16xi32> -> vector<16xi32>
      %mul3A_492 = arith.constant 8 : i32
      %mul3A_493 = vector.broadcast %mul3A_492 : i32 to vector<16xi32>
      %mul3A_494 = arith.muli %gather3A_491, %mul3A_493 : vector<16xi32>
      %add3A_495 = arith.addi %mul3A_494, %select_n3A_19 : vector<16xi32>
      %gather3A_496 = tpu.vector_load_idx %arg7[%add3A_495] : memref<208xf32, #tpu.memory_space<vmem>>[vector<16xi32>], vector<16xf32>,
      %jit3A_497 = arith.constant 6 : i32
      %jit3A_498 = arith.constant 7 : i32
      %broadcast_in_dim3A_499 = vector.broadcast %jit3A_497 : i32 to vector<16xi32>
      %broadcast_in_dim3A_500 = vector.broadcast %jit3A_498 : i32 to vector<16xi32>
      %select_n3A_501 = arith.select %lt3A_22, %broadcast_in_dim3A_499, %broadcast_in_dim3A_500 : vector<16xi1>, vector<16xi32>
      %broadcast_in_dim3A_502 = vector.shape_cast %select_n3A_501 : vector<16xi32> to vector<16x1xi32>
      %gather3A_503 = vector.shape_cast %broadcast_in_dim3A_502 : vector<16x1xi32> to vector<16xi32>
      %gather3A_504 = tpu.dynamic_gather %get3A_326[%gather3A_503] in [0] : vector<16xi32>, vector<16xi32> -> vector<16xi32>
      %mul3A_505 = arith.constant 8 : i32
      %mul3A_506 = vector.broadcast %mul3A_505 : i32 to vector<16xi32>
      %mul3A_507 = arith.muli %gather3A_504, %mul3A_506 : vector<16xi32>
      %add3A_508 = arith.addi %mul3A_507, %select_n3A_19 : vector<16xi32>
      %gather3A_509 = tpu.vector_load_idx %arg7[%add3A_508] : memref<208xf32, #tpu.memory_space<vmem>>[vector<16xi32>], vector<16xf32>,
      %jit3A_510 = arith.constant 8 : i32
      %jit3A_511 = arith.constant 9 : i32
      %broadcast_in_dim3A_512 = vector.broadcast %jit3A_510 : i32 to vector<16xi32>
      %broadcast_in_dim3A_513 = vector.broadcast %jit3A_511 : i32 to vector<16xi32>
      %select_n3A_514 = arith.select %lt3A_22, %broadcast_in_dim3A_512, %broadcast_in_dim3A_513 : vector<16xi1>, vector<16xi32>
      %broadcast_in_dim3A_515 = vector.shape_cast %select_n3A_514 : vector<16xi32> to vector<16x1xi32>
      %gather3A_516 = vector.shape_cast %broadcast_in_dim3A_515 : vector<16x1xi32> to vector<16xi32>
      %gather3A_517 = tpu.dynamic_gather %get3A_326[%gather3A_516] in [0] : vector<16xi32>, vector<16xi32> -> vector<16xi32>
      %mul3A_518 = arith.constant 8 : i32
      %mul3A_519 = vector.broadcast %mul3A_518 : i32 to vector<16xi32>
      %mul3A_520 = arith.muli %gather3A_517, %mul3A_519 : vector<16xi32>
      %add3A_521 = arith.addi %mul3A_520, %select_n3A_19 : vector<16xi32>
      %gather3A_522 = tpu.vector_load_idx %arg7[%add3A_521] : memref<208xf32, #tpu.memory_space<vmem>>[vector<16xi32>], vector<16xf32>,
      %jit3A_523 = arith.constant 10 : i32
      %jit3A_524 = arith.constant 11 : i32
      %broadcast_in_dim3A_525 = vector.broadcast %jit3A_523 : i32 to vector<16xi32>
      %broadcast_in_dim3A_526 = vector.broadcast %jit3A_524 : i32 to vector<16xi32>
      %select_n3A_527 = arith.select %lt3A_22, %broadcast_in_dim3A_525, %broadcast_in_dim3A_526 : vector<16xi1>, vector<16xi32>
      %broadcast_in_dim3A_528 = vector.shape_cast %select_n3A_527 : vector<16xi32> to vector<16x1xi32>
      %gather3A_529 = vector.shape_cast %broadcast_in_dim3A_528 : vector<16x1xi32> to vector<16xi32>
      %gather3A_530 = tpu.dynamic_gather %get3A_326[%gather3A_529] in [0] : vector<16xi32>, vector<16xi32> -> vector<16xi32>
      %mul3A_531 = arith.constant 8 : i32
      %mul3A_532 = vector.broadcast %mul3A_531 : i32 to vector<16xi32>
      %mul3A_533 = arith.muli %gather3A_530, %mul3A_532 : vector<16xi32>
      %add3A_534 = arith.addi %mul3A_533, %select_n3A_19 : vector<16xi32>
      %gather3A_535 = tpu.vector_load_idx %arg7[%add3A_534] : memref<208xf32, #tpu.memory_space<vmem>>[vector<16xi32>], vector<16xf32>,
      %jit3A_536 = arith.constant 12 : i32
      %jit3A_537 = arith.constant 13 : i32
      %broadcast_in_dim3A_538 = vector.broadcast %jit3A_536 : i32 to vector<16xi32>
      %broadcast_in_dim3A_539 = vector.broadcast %jit3A_537 : i32 to vector<16xi32>
      %select_n3A_540 = arith.select %lt3A_22, %broadcast_in_dim3A_538, %broadcast_in_dim3A_539 : vector<16xi1>, vector<16xi32>
      %broadcast_in_dim3A_541 = vector.shape_cast %select_n3A_540 : vector<16xi32> to vector<16x1xi32>
      %gather3A_542 = vector.shape_cast %broadcast_in_dim3A_541 : vector<16x1xi32> to vector<16xi32>
      %gather3A_543 = tpu.dynamic_gather %get3A_326[%gather3A_542] in [0] : vector<16xi32>, vector<16xi32> -> vector<16xi32>
      %mul3A_544 = arith.constant 8 : i32
      %mul3A_545 = vector.broadcast %mul3A_544 : i32 to vector<16xi32>
      %mul3A_546 = arith.muli %gather3A_543, %mul3A_545 : vector<16xi32>
      %add3A_547 = arith.addi %mul3A_546, %select_n3A_19 : vector<16xi32>
      %gather3A_548 = tpu.vector_load_idx %arg7[%add3A_547] : memref<208xf32, #tpu.memory_space<vmem>>[vector<16xi32>], vector<16xf32>,
      %add3A_549 = arith.addf %gather3A_496, %gather3A_509 : vector<16xf32>
      %add3A_550 = arith.addf %add3A_549, %gather3A_522 : vector<16xf32>
      %add3A_551 = arith.addf %add3A_550, %gather3A_535 : vector<16xf32>
      %add3A_552 = arith.addf %add3A_551, %gather3A_548 : vector<16xf32>
      %add3A_553 = arith.constant 8 : i32
      %add3A_554 = vector.broadcast %add3A_553 : i32 to vector<16xi32>
      %add3A_555 = arith.addi %select_n3A_19, %add3A_554 : vector<16xi32>
      %broadcast_in_dim3A_556 = vector.shape_cast %add3A_555 : vector<16xi32> to vector<16x1xi32>
      %gather3A_557 = vector.shape_cast %broadcast_in_dim3A_556 : vector<16x1xi32> to vector<16xi32>
      %gather3A_558 = tpu.dynamic_gather %add3A_552[%gather3A_557] in [0] : vector<16xf32>, vector<16xi32> -> vector<16xf32>
      %add3A_559 = arith.addf %add3A_552, %gather3A_558 : vector<16xf32>
      %mul3A_560 = arith.constant 1.000000e-01 : f32
      %mul3A_561 = vector.broadcast %mul3A_560 : f32 to vector<16xf32>
      %mul3A_562 = arith.mulf %add3A_559, %mul3A_561 : vector<16xf32>
      %broadcast_in_dim3A_563 = vector.shape_cast %select_n3A_19 : vector<16xi32> to vector<16x1xi32>
      %gather3A_564 = vector.shape_cast %broadcast_in_dim3A_563 : vector<16x1xi32> to vector<16xi32>
      %gather3A_565 = tpu.dynamic_gather %mul3A_483[%gather3A_564] in [0] : vector<16xf32>, vector<16xi32> -> vector<16xf32>
      %broadcast_in_dim3A_566 = vector.shape_cast %select_n3A_19 : vector<16xi32> to vector<16x1xi32>
      %gather3A_567 = vector.shape_cast %broadcast_in_dim3A_566 : vector<16x1xi32> to vector<16xi32>
      %gather3A_568 = tpu.dynamic_gather %mul3A_562[%gather3A_567] in [0] : vector<16xf32>, vector<16xi32> -> vector<16xf32>
      %mul3A_569 = arith.constant 96 : i32
      %mul3A_570 = arith.muli %scan3A_316, %mul3A_569 : i32
      %swap3A_571 = arith.index_cast %mul3A_570 : i32 to index
      %swap3A_572 = tpu.vector_load %arg9[%swap3A_571] {strides = array<i32>} : memref<49152xf32, #tpu.memory_space<vmem>>, vector<16xf32>,
      tpu.vector_store %arg9[%swap3A_571], %gather3A_339 {strides = array<i32>} : memref<49152xf32, #tpu.memory_space<vmem>>, vector<16xf32>,
      %mul3A_573 = arith.constant 96 : i32
      %mul3A_574 = arith.muli %scan3A_316, %mul3A_573 : i32
      %add3A_575 = arith.constant 16 : i32
      %add3A_576 = arith.addi %mul3A_574, %add3A_575 : i32
      %swap3A_577 = arith.index_cast %add3A_576 : i32 to index
      %swap3A_578 = tpu.vector_load %arg9[%swap3A_577] {strides = array<i32>} : memref<49152xf32, #tpu.memory_space<vmem>>, vector<16xf32>,
      tpu.vector_store %arg9[%swap3A_577], %gather3A_352 {strides = array<i32>} : memref<49152xf32, #tpu.memory_space<vmem>>, vector<16xf32>,
      %select_n3A_579 = arith.select %lt3A_22, %gather3A_365, %gather3A_565 : vector<16xi1>, vector<16xf32>
      %mul3A_580 = arith.constant 96 : i32
      %mul3A_581 = arith.muli %scan3A_316, %mul3A_580 : i32
      %add3A_582 = arith.constant 32 : i32
      %add3A_583 = arith.addi %mul3A_581, %add3A_582 : i32
      %swap3A_584 = arith.index_cast %add3A_583 : i32 to index
      %swap3A_585 = tpu.vector_load %arg9[%swap3A_584] {strides = array<i32>} : memref<49152xf32, #tpu.memory_space<vmem>>, vector<16xf32>,
      tpu.vector_store %arg9[%swap3A_584], %select_n3A_579 {strides = array<i32>} : memref<49152xf32, #tpu.memory_space<vmem>>, vector<16xf32>,
      %mul3A_586 = arith.constant 96 : i32
      %mul3A_587 = arith.muli %scan3A_316, %mul3A_586 : i32
      %add3A_588 = arith.constant 48 : i32
      %add3A_589 = arith.addi %mul3A_587, %add3A_588 : i32
      %swap3A_590 = arith.index_cast %add3A_589 : i32 to index
      %swap3A_591 = tpu.vector_load %arg9[%swap3A_590] {strides = array<i32>} : memref<49152xf32, #tpu.memory_space<vmem>>, vector<16xf32>,
      tpu.vector_store %arg9[%swap3A_590], %gather3A_378 {strides = array<i32>} : memref<49152xf32, #tpu.memory_space<vmem>>, vector<16xf32>,
      %mul3A_592 = arith.constant 96 : i32
      %mul3A_593 = arith.muli %scan3A_316, %mul3A_592 : i32
      %add3A_594 = arith.constant 64 : i32
      %add3A_595 = arith.addi %mul3A_593, %add3A_594 : i32
      %swap3A_596 = arith.index_cast %add3A_595 : i32 to index
      %swap3A_597 = tpu.vector_load %arg9[%swap3A_596] {strides = array<i32>} : memref<49152xf32, #tpu.memory_space<vmem>>, vector<16xf32>,
      tpu.vector_store %arg9[%swap3A_596], %gather3A_391 {strides = array<i32>} : memref<49152xf32, #tpu.memory_space<vmem>>, vector<16xf32>,
      %select_n3A_598 = arith.select %lt3A_22, %gather3A_404, %gather3A_568 : vector<16xi1>, vector<16xf32>
      %mul3A_599 = arith.constant 96 : i32
      %mul3A_600 = arith.muli %scan3A_316, %mul3A_599 : i32
      %add3A_601 = arith.constant 80 : i32
      %add3A_602 = arith.addi %mul3A_600, %add3A_601 : i32
      %swap3A_603 = arith.index_cast %add3A_602 : i32 to index
      %swap3A_604 = tpu.vector_load %arg9[%swap3A_603] {strides = array<i32>} : memref<49152xf32, #tpu.memory_space<vmem>>, vector<16xf32>,
      tpu.vector_store %arg9[%swap3A_603], %select_n3A_598 {strides = array<i32>} : memref<49152xf32, #tpu.memory_space<vmem>>, vector<16xf32>,
      %scan3A_605 = arith.constant 2 : i32
      %scan3A_606 = arith.addi %scan3A_30, %scan3A_605 : i32
      %mul3A_607 = arith.constant 32 : i32
      %mul3A_608 = arith.muli %scan3A_606, %mul3A_607 : i32
      %get3A_609 = arith.index_cast %mul3A_608 : i32 to index
      %get3A_610 = tpu.vector_load %arg6[%get3A_609] {strides = array<i32>} : memref<16384xi32, #tpu.memory_space<vmem>>, vector<16xi32>,
      %mul3A_611 = arith.constant 32 : i32
      %mul3A_612 = arith.muli %scan3A_606, %mul3A_611 : i32
      %add3A_613 = arith.constant 16 : i32
      %add3A_614 = arith.addi %mul3A_612, %add3A_613 : i32
      %get3A_615 = arith.index_cast %add3A_614 : i32 to index
      %get3A_616 = tpu.vector_load %arg6[%get3A_615] {strides = array<i32>} : memref<16384xi32, #tpu.memory_space<vmem>>, vector<16xi32>,
      %jit3A_617 = arith.constant 0 : i32
      %jit3A_618 = arith.constant 1 : i32
      %broadcast_in_dim3A_619 = vector.broadcast %jit3A_617 : i32 to vector<16xi32>
      %broadcast_in_dim3A_620 = vector.broadcast %jit3A_618 : i32 to vector<16xi32>
      %select_n3A_621 = arith.select %lt3A_22, %broadcast_in_dim3A_619, %broadcast_in_dim3A_620 : vector<16xi1>, vector<16xi32>
      %broadcast_in_dim3A_622 = vector.shape_cast %select_n3A_621 : vector<16xi32> to vector<16x1xi32>
      %gather3A_623 = vector.shape_cast %broadcast_in_dim3A_622 : vector<16x1xi32> to vector<16xi32>
      %gather3A_624 = tpu.dynamic_gather %get3A_610[%gather3A_623] in [0] : vector<16xi32>, vector<16xi32> -> vector<16xi32>
      %mul3A_625 = arith.constant 8 : i32
      %mul3A_626 = vector.broadcast %mul3A_625 : i32 to vector<16xi32>
      %mul3A_627 = arith.muli %gather3A_624, %mul3A_626 : vector<16xi32>
      %add3A_628 = arith.addi %mul3A_627, %select_n3A_19 : vector<16xi32>
      %gather3A_629 = tpu.vector_load_idx %arg7[%add3A_628] : memref<208xf32, #tpu.memory_space<vmem>>[vector<16xi32>], vector<16xf32>,
      %jit3A_630 = arith.constant 2 : i32
      %jit3A_631 = arith.constant 3 : i32
      %broadcast_in_dim3A_632 = vector.broadcast %jit3A_630 : i32 to vector<16xi32>
      %broadcast_in_dim3A_633 = vector.broadcast %jit3A_631 : i32 to vector<16xi32>
      %select_n3A_634 = arith.select %lt3A_22, %broadcast_in_dim3A_632, %broadcast_in_dim3A_633 : vector<16xi1>, vector<16xi32>
      %broadcast_in_dim3A_635 = vector.shape_cast %select_n3A_634 : vector<16xi32> to vector<16x1xi32>
      %gather3A_636 = vector.shape_cast %broadcast_in_dim3A_635 : vector<16x1xi32> to vector<16xi32>
      %gather3A_637 = tpu.dynamic_gather %get3A_610[%gather3A_636] in [0] : vector<16xi32>, vector<16xi32> -> vector<16xi32>
      %mul3A_638 = arith.constant 8 : i32
      %mul3A_639 = vector.broadcast %mul3A_638 : i32 to vector<16xi32>
      %mul3A_640 = arith.muli %gather3A_637, %mul3A_639 : vector<16xi32>
      %add3A_641 = arith.addi %mul3A_640, %select_n3A_19 : vector<16xi32>
      %gather3A_642 = tpu.vector_load_idx %arg7[%add3A_641] : memref<208xf32, #tpu.memory_space<vmem>>[vector<16xi32>], vector<16xf32>,
      %jit3A_643 = arith.constant 4 : i32
      %jit3A_644 = arith.constant 4 : i32
      %broadcast_in_dim3A_645 = vector.broadcast %jit3A_643 : i32 to vector<16xi32>
      %broadcast_in_dim3A_646 = vector.broadcast %jit3A_644 : i32 to vector<16xi32>
      %select_n3A_647 = arith.select %lt3A_22, %broadcast_in_dim3A_645, %broadcast_in_dim3A_646 : vector<16xi1>, vector<16xi32>
      %broadcast_in_dim3A_648 = vector.shape_cast %select_n3A_647 : vector<16xi32> to vector<16x1xi32>
      %gather3A_649 = vector.shape_cast %broadcast_in_dim3A_648 : vector<16x1xi32> to vector<16xi32>
      %gather3A_650 = tpu.dynamic_gather %get3A_610[%gather3A_649] in [0] : vector<16xi32>, vector<16xi32> -> vector<16xi32>
      %mul3A_651 = arith.constant 8 : i32
      %mul3A_652 = vector.broadcast %mul3A_651 : i32 to vector<16xi32>
      %mul3A_653 = arith.muli %gather3A_650, %mul3A_652 : vector<16xi32>
      %add3A_654 = arith.addi %mul3A_653, %select_n3A_19 : vector<16xi32>
      %gather3A_655 = tpu.vector_load_idx %arg7[%add3A_654] : memref<208xf32, #tpu.memory_space<vmem>>[vector<16xi32>], vector<16xf32>,
      %jit3A_656 = arith.constant 5 : i32
      %jit3A_657 = arith.constant 6 : i32
      %broadcast_in_dim3A_658 = vector.broadcast %jit3A_656 : i32 to vector<16xi32>
      %broadcast_in_dim3A_659 = vector.broadcast %jit3A_657 : i32 to vector<16xi32>
      %select_n3A_660 = arith.select %lt3A_22, %broadcast_in_dim3A_658, %broadcast_in_dim3A_659 : vector<16xi1>, vector<16xi32>
      %broadcast_in_dim3A_661 = vector.shape_cast %select_n3A_660 : vector<16xi32> to vector<16x1xi32>
      %gather3A_662 = vector.shape_cast %broadcast_in_dim3A_661 : vector<16x1xi32> to vector<16xi32>
      %gather3A_663 = tpu.dynamic_gather %get3A_610[%gather3A_662] in [0] : vector<16xi32>, vector<16xi32> -> vector<16xi32>
      %mul3A_664 = arith.constant 8 : i32
      %mul3A_665 = vector.broadcast %mul3A_664 : i32 to vector<16xi32>
      %mul3A_666 = arith.muli %gather3A_663, %mul3A_665 : vector<16xi32>
      %add3A_667 = arith.addi %mul3A_666, %select_n3A_19 : vector<16xi32>
      %gather3A_668 = tpu.vector_load_idx %arg8[%add3A_667] : memref<216xf32, #tpu.memory_space<vmem>>[vector<16xi32>], vector<16xf32>,
      %jit3A_669 = arith.constant 7 : i32
      %jit3A_670 = arith.constant 8 : i32
      %broadcast_in_dim3A_671 = vector.broadcast %jit3A_669 : i32 to vector<16xi32>
      %broadcast_in_dim3A_672 = vector.broadcast %jit3A_670 : i32 to vector<16xi32>
      %select_n3A_673 = arith.select %lt3A_22, %broadcast_in_dim3A_671, %broadcast_in_dim3A_672 : vector<16xi1>, vector<16xi32>
      %broadcast_in_dim3A_674 = vector.shape_cast %select_n3A_673 : vector<16xi32> to vector<16x1xi32>
      %gather3A_675 = vector.shape_cast %broadcast_in_dim3A_674 : vector<16x1xi32> to vector<16xi32>
      %gather3A_676 = tpu.dynamic_gather %get3A_610[%gather3A_675] in [0] : vector<16xi32>, vector<16xi32> -> vector<16xi32>
      %mul3A_677 = arith.constant 8 : i32
      %mul3A_678 = vector.broadcast %mul3A_677 : i32 to vector<16xi32>
      %mul3A_679 = arith.muli %gather3A_676, %mul3A_678 : vector<16xi32>
      %add3A_680 = arith.addi %mul3A_679, %select_n3A_19 : vector<16xi32>
      %gather3A_681 = tpu.vector_load_idx %arg8[%add3A_680] : memref<216xf32, #tpu.memory_space<vmem>>[vector<16xi32>], vector<16xf32>,
      %jit3A_682 = arith.constant 9 : i32
      %jit3A_683 = arith.constant 9 : i32
      %broadcast_in_dim3A_684 = vector.broadcast %jit3A_682 : i32 to vector<16xi32>
      %broadcast_in_dim3A_685 = vector.broadcast %jit3A_683 : i32 to vector<16xi32>
      %select_n3A_686 = arith.select %lt3A_22, %broadcast_in_dim3A_684, %broadcast_in_dim3A_685 : vector<16xi1>, vector<16xi32>
      %broadcast_in_dim3A_687 = vector.shape_cast %select_n3A_686 : vector<16xi32> to vector<16x1xi32>
      %gather3A_688 = vector.shape_cast %broadcast_in_dim3A_687 : vector<16x1xi32> to vector<16xi32>
      %gather3A_689 = tpu.dynamic_gather %get3A_610[%gather3A_688] in [0] : vector<16xi32>, vector<16xi32> -> vector<16xi32>
      %mul3A_690 = arith.constant 8 : i32
      %mul3A_691 = vector.broadcast %mul3A_690 : i32 to vector<16xi32>
      %mul3A_692 = arith.muli %gather3A_689, %mul3A_691 : vector<16xi32>
      %add3A_693 = arith.addi %mul3A_692, %select_n3A_19 : vector<16xi32>
      %gather3A_694 = tpu.vector_load_idx %arg8[%add3A_693] : memref<216xf32, #tpu.memory_space<vmem>>[vector<16xi32>], vector<16xf32>,
      %jit3A_695 = arith.constant 10 : i32
      %jit3A_696 = arith.constant 11 : i32
      %broadcast_in_dim3A_697 = vector.broadcast %jit3A_695 : i32 to vector<16xi32>
      %broadcast_in_dim3A_698 = vector.broadcast %jit3A_696 : i32 to vector<16xi32>
      %select_n3A_699 = arith.select %lt3A_22, %broadcast_in_dim3A_697, %broadcast_in_dim3A_698 : vector<16xi1>, vector<16xi32>
      %broadcast_in_dim3A_700 = vector.shape_cast %select_n3A_699 : vector<16xi32> to vector<16x1xi32>
      %gather3A_701 = vector.shape_cast %broadcast_in_dim3A_700 : vector<16x1xi32> to vector<16xi32>
      %gather3A_702 = tpu.dynamic_gather %get3A_610[%gather3A_701] in [0] : vector<16xi32>, vector<16xi32> -> vector<16xi32>
      %mul3A_703 = arith.constant 8 : i32
      %mul3A_704 = vector.broadcast %mul3A_703 : i32 to vector<16xi32>
      %mul3A_705 = arith.muli %gather3A_702, %mul3A_704 : vector<16xi32>
      %add3A_706 = arith.addi %mul3A_705, %select_n3A_19 : vector<16xi32>
      %gather3A_707 = tpu.vector_load_idx %arg7[%add3A_706] : memref<208xf32, #tpu.memory_space<vmem>>[vector<16xi32>], vector<16xf32>,
      %jit3A_708 = arith.constant 12 : i32
      %jit3A_709 = arith.constant 13 : i32
      %broadcast_in_dim3A_710 = vector.broadcast %jit3A_708 : i32 to vector<16xi32>
      %broadcast_in_dim3A_711 = vector.broadcast %jit3A_709 : i32 to vector<16xi32>
      %select_n3A_712 = arith.select %lt3A_22, %broadcast_in_dim3A_710, %broadcast_in_dim3A_711 : vector<16xi1>, vector<16xi32>
      %broadcast_in_dim3A_713 = vector.shape_cast %select_n3A_712 : vector<16xi32> to vector<16x1xi32>
      %gather3A_714 = vector.shape_cast %broadcast_in_dim3A_713 : vector<16x1xi32> to vector<16xi32>
      %gather3A_715 = tpu.dynamic_gather %get3A_610[%gather3A_714] in [0] : vector<16xi32>, vector<16xi32> -> vector<16xi32>
      %mul3A_716 = arith.constant 8 : i32
      %mul3A_717 = vector.broadcast %mul3A_716 : i32 to vector<16xi32>
      %mul3A_718 = arith.muli %gather3A_715, %mul3A_717 : vector<16xi32>
      %add3A_719 = arith.addi %mul3A_718, %select_n3A_19 : vector<16xi32>
      %gather3A_720 = tpu.vector_load_idx %arg7[%add3A_719] : memref<208xf32, #tpu.memory_space<vmem>>[vector<16xi32>], vector<16xf32>,
      %jit3A_721 = arith.constant 14 : i32
      %jit3A_722 = arith.constant 15 : i32
      %broadcast_in_dim3A_723 = vector.broadcast %jit3A_721 : i32 to vector<16xi32>
      %broadcast_in_dim3A_724 = vector.broadcast %jit3A_722 : i32 to vector<16xi32>
      %select_n3A_725 = arith.select %lt3A_22, %broadcast_in_dim3A_723, %broadcast_in_dim3A_724 : vector<16xi1>, vector<16xi32>
      %broadcast_in_dim3A_726 = vector.shape_cast %select_n3A_725 : vector<16xi32> to vector<16x1xi32>
      %gather3A_727 = vector.shape_cast %broadcast_in_dim3A_726 : vector<16x1xi32> to vector<16xi32>
      %gather3A_728 = tpu.dynamic_gather %get3A_610[%gather3A_727] in [0] : vector<16xi32>, vector<16xi32> -> vector<16xi32>
      %mul3A_729 = arith.constant 8 : i32
      %mul3A_730 = vector.broadcast %mul3A_729 : i32 to vector<16xi32>
      %mul3A_731 = arith.muli %gather3A_728, %mul3A_730 : vector<16xi32>
      %add3A_732 = arith.addi %mul3A_731, %select_n3A_19 : vector<16xi32>
      %gather3A_733 = tpu.vector_load_idx %arg7[%add3A_732] : memref<208xf32, #tpu.memory_space<vmem>>[vector<16xi32>], vector<16xf32>,
      %jit3A_734 = arith.constant 0 : i32
      %jit3A_735 = arith.constant 1 : i32
      %broadcast_in_dim3A_736 = vector.broadcast %jit3A_734 : i32 to vector<16xi32>
      %broadcast_in_dim3A_737 = vector.broadcast %jit3A_735 : i32 to vector<16xi32>
      %select_n3A_738 = arith.select %lt3A_22, %broadcast_in_dim3A_736, %broadcast_in_dim3A_737 : vector<16xi1>, vector<16xi32>
      %broadcast_in_dim3A_739 = vector.shape_cast %select_n3A_738 : vector<16xi32> to vector<16x1xi32>
      %gather3A_740 = vector.shape_cast %broadcast_in_dim3A_739 : vector<16x1xi32> to vector<16xi32>
      %gather3A_741 = tpu.dynamic_gather %get3A_616[%gather3A_740] in [0] : vector<16xi32>, vector<16xi32> -> vector<16xi32>
      %mul3A_742 = arith.constant 8 : i32
      %mul3A_743 = vector.broadcast %mul3A_742 : i32 to vector<16xi32>
      %mul3A_744 = arith.muli %gather3A_741, %mul3A_743 : vector<16xi32>
      %add3A_745 = arith.addi %mul3A_744, %select_n3A_19 : vector<16xi32>
      %gather3A_746 = tpu.vector_load_idx %arg7[%add3A_745] : memref<208xf32, #tpu.memory_space<vmem>>[vector<16xi32>], vector<16xf32>,
      %jit3A_747 = arith.constant 2 : i32
      %jit3A_748 = arith.constant 3 : i32
      %broadcast_in_dim3A_749 = vector.broadcast %jit3A_747 : i32 to vector<16xi32>
      %broadcast_in_dim3A_750 = vector.broadcast %jit3A_748 : i32 to vector<16xi32>
      %select_n3A_751 = arith.select %lt3A_22, %broadcast_in_dim3A_749, %broadcast_in_dim3A_750 : vector<16xi1>, vector<16xi32>
      %broadcast_in_dim3A_752 = vector.shape_cast %select_n3A_751 : vector<16xi32> to vector<16x1xi32>
      %gather3A_753 = vector.shape_cast %broadcast_in_dim3A_752 : vector<16x1xi32> to vector<16xi32>
      %gather3A_754 = tpu.dynamic_gather %get3A_616[%gather3A_753] in [0] : vector<16xi32>, vector<16xi32> -> vector<16xi32>
      %mul3A_755 = arith.constant 8 : i32
      %mul3A_756 = vector.broadcast %mul3A_755 : i32 to vector<16xi32>
      %mul3A_757 = arith.muli %gather3A_754, %mul3A_756 : vector<16xi32>
      %add3A_758 = arith.addi %mul3A_757, %select_n3A_19 : vector<16xi32>
      %gather3A_759 = tpu.vector_load_idx %arg7[%add3A_758] : memref<208xf32, #tpu.memory_space<vmem>>[vector<16xi32>], vector<16xf32>,
      %add3A_760 = arith.addf %gather3A_707, %gather3A_720 : vector<16xf32>
      %add3A_761 = arith.addf %add3A_760, %gather3A_733 : vector<16xf32>
      %add3A_762 = arith.addf %add3A_761, %gather3A_746 : vector<16xf32>
      %add3A_763 = arith.addf %add3A_762, %gather3A_759 : vector<16xf32>
      %add3A_764 = arith.constant 8 : i32
      %add3A_765 = vector.broadcast %add3A_764 : i32 to vector<16xi32>
      %add3A_766 = arith.addi %select_n3A_19, %add3A_765 : vector<16xi32>
      %broadcast_in_dim3A_767 = vector.shape_cast %add3A_766 : vector<16xi32> to vector<16x1xi32>
      %gather3A_768 = vector.shape_cast %broadcast_in_dim3A_767 : vector<16x1xi32> to vector<16xi32>
      %gather3A_769 = tpu.dynamic_gather %add3A_763[%gather3A_768] in [0] : vector<16xf32>, vector<16xi32> -> vector<16xf32>
      %add3A_770 = arith.addf %add3A_763, %gather3A_769 : vector<16xf32>
      %mul3A_771 = arith.constant 1.000000e-01 : f32
      %mul3A_772 = vector.broadcast %mul3A_771 : f32 to vector<16xf32>
      %mul3A_773 = arith.mulf %add3A_770, %mul3A_772 : vector<16xf32>
      %jit3A_774 = arith.constant 4 : i32
      %jit3A_775 = arith.constant 5 : i32
      %broadcast_in_dim3A_776 = vector.broadcast %jit3A_774 : i32 to vector<16xi32>
      %broadcast_in_dim3A_777 = vector.broadcast %jit3A_775 : i32 to vector<16xi32>
      %select_n3A_778 = arith.select %lt3A_22, %broadcast_in_dim3A_776, %broadcast_in_dim3A_777 : vector<16xi1>, vector<16xi32>
      %broadcast_in_dim3A_779 = vector.shape_cast %select_n3A_778 : vector<16xi32> to vector<16x1xi32>
      %gather3A_780 = vector.shape_cast %broadcast_in_dim3A_779 : vector<16x1xi32> to vector<16xi32>
      %gather3A_781 = tpu.dynamic_gather %get3A_616[%gather3A_780] in [0] : vector<16xi32>, vector<16xi32> -> vector<16xi32>
      %mul3A_782 = arith.constant 8 : i32
      %mul3A_783 = vector.broadcast %mul3A_782 : i32 to vector<16xi32>
      %mul3A_784 = arith.muli %gather3A_781, %mul3A_783 : vector<16xi32>
      %add3A_785 = arith.addi %mul3A_784, %select_n3A_19 : vector<16xi32>
      %gather3A_786 = tpu.vector_load_idx %arg7[%add3A_785] : memref<208xf32, #tpu.memory_space<vmem>>[vector<16xi32>], vector<16xf32>,
      %jit3A_787 = arith.constant 6 : i32
      %jit3A_788 = arith.constant 7 : i32
      %broadcast_in_dim3A_789 = vector.broadcast %jit3A_787 : i32 to vector<16xi32>
      %broadcast_in_dim3A_790 = vector.broadcast %jit3A_788 : i32 to vector<16xi32>
      %select_n3A_791 = arith.select %lt3A_22, %broadcast_in_dim3A_789, %broadcast_in_dim3A_790 : vector<16xi1>, vector<16xi32>
      %broadcast_in_dim3A_792 = vector.shape_cast %select_n3A_791 : vector<16xi32> to vector<16x1xi32>
      %gather3A_793 = vector.shape_cast %broadcast_in_dim3A_792 : vector<16x1xi32> to vector<16xi32>
      %gather3A_794 = tpu.dynamic_gather %get3A_616[%gather3A_793] in [0] : vector<16xi32>, vector<16xi32> -> vector<16xi32>
      %mul3A_795 = arith.constant 8 : i32
      %mul3A_796 = vector.broadcast %mul3A_795 : i32 to vector<16xi32>
      %mul3A_797 = arith.muli %gather3A_794, %mul3A_796 : vector<16xi32>
      %add3A_798 = arith.addi %mul3A_797, %select_n3A_19 : vector<16xi32>
      %gather3A_799 = tpu.vector_load_idx %arg7[%add3A_798] : memref<208xf32, #tpu.memory_space<vmem>>[vector<16xi32>], vector<16xf32>,
      %jit3A_800 = arith.constant 8 : i32
      %jit3A_801 = arith.constant 9 : i32
      %broadcast_in_dim3A_802 = vector.broadcast %jit3A_800 : i32 to vector<16xi32>
      %broadcast_in_dim3A_803 = vector.broadcast %jit3A_801 : i32 to vector<16xi32>
      %select_n3A_804 = arith.select %lt3A_22, %broadcast_in_dim3A_802, %broadcast_in_dim3A_803 : vector<16xi1>, vector<16xi32>
      %broadcast_in_dim3A_805 = vector.shape_cast %select_n3A_804 : vector<16xi32> to vector<16x1xi32>
      %gather3A_806 = vector.shape_cast %broadcast_in_dim3A_805 : vector<16x1xi32> to vector<16xi32>
      %gather3A_807 = tpu.dynamic_gather %get3A_616[%gather3A_806] in [0] : vector<16xi32>, vector<16xi32> -> vector<16xi32>
      %mul3A_808 = arith.constant 8 : i32
      %mul3A_809 = vector.broadcast %mul3A_808 : i32 to vector<16xi32>
      %mul3A_810 = arith.muli %gather3A_807, %mul3A_809 : vector<16xi32>
      %add3A_811 = arith.addi %mul3A_810, %select_n3A_19 : vector<16xi32>
      %gather3A_812 = tpu.vector_load_idx %arg7[%add3A_811] : memref<208xf32, #tpu.memory_space<vmem>>[vector<16xi32>], vector<16xf32>,
      %jit3A_813 = arith.constant 10 : i32
      %jit3A_814 = arith.constant 11 : i32
      %broadcast_in_dim3A_815 = vector.broadcast %jit3A_813 : i32 to vector<16xi32>
      %broadcast_in_dim3A_816 = vector.broadcast %jit3A_814 : i32 to vector<16xi32>
      %select_n3A_817 = arith.select %lt3A_22, %broadcast_in_dim3A_815, %broadcast_in_dim3A_816 : vector<16xi1>, vector<16xi32>
      %broadcast_in_dim3A_818 = vector.shape_cast %select_n3A_817 : vector<16xi32> to vector<16x1xi32>
      %gather3A_819 = vector.shape_cast %broadcast_in_dim3A_818 : vector<16x1xi32> to vector<16xi32>
      %gather3A_820 = tpu.dynamic_gather %get3A_616[%gather3A_819] in [0] : vector<16xi32>, vector<16xi32> -> vector<16xi32>
      %mul3A_821 = arith.constant 8 : i32
      %mul3A_822 = vector.broadcast %mul3A_821 : i32 to vector<16xi32>
      %mul3A_823 = arith.muli %gather3A_820, %mul3A_822 : vector<16xi32>
      %add3A_824 = arith.addi %mul3A_823, %select_n3A_19 : vector<16xi32>
      %gather3A_825 = tpu.vector_load_idx %arg7[%add3A_824] : memref<208xf32, #tpu.memory_space<vmem>>[vector<16xi32>], vector<16xf32>,
      %jit3A_826 = arith.constant 12 : i32
      %jit3A_827 = arith.constant 13 : i32
      %broadcast_in_dim3A_828 = vector.broadcast %jit3A_826 : i32 to vector<16xi32>
      %broadcast_in_dim3A_829 = vector.broadcast %jit3A_827 : i32 to vector<16xi32>
      %select_n3A_830 = arith.select %lt3A_22, %broadcast_in_dim3A_828, %broadcast_in_dim3A_829 : vector<16xi1>, vector<16xi32>
      %broadcast_in_dim3A_831 = vector.shape_cast %select_n3A_830 : vector<16xi32> to vector<16x1xi32>
      %gather3A_832 = vector.shape_cast %broadcast_in_dim3A_831 : vector<16x1xi32> to vector<16xi32>
      %gather3A_833 = tpu.dynamic_gather %get3A_616[%gather3A_832] in [0] : vector<16xi32>, vector<16xi32> -> vector<16xi32>
      %mul3A_834 = arith.constant 8 : i32
      %mul3A_835 = vector.broadcast %mul3A_834 : i32 to vector<16xi32>
      %mul3A_836 = arith.muli %gather3A_833, %mul3A_835 : vector<16xi32>
      %add3A_837 = arith.addi %mul3A_836, %select_n3A_19 : vector<16xi32>
      %gather3A_838 = tpu.vector_load_idx %arg7[%add3A_837] : memref<208xf32, #tpu.memory_space<vmem>>[vector<16xi32>], vector<16xf32>,
      %add3A_839 = arith.addf %gather3A_786, %gather3A_799 : vector<16xf32>
      %add3A_840 = arith.addf %add3A_839, %gather3A_812 : vector<16xf32>
      %add3A_841 = arith.addf %add3A_840, %gather3A_825 : vector<16xf32>
      %add3A_842 = arith.addf %add3A_841, %gather3A_838 : vector<16xf32>
      %add3A_843 = arith.constant 8 : i32
      %add3A_844 = vector.broadcast %add3A_843 : i32 to vector<16xi32>
      %add3A_845 = arith.addi %select_n3A_19, %add3A_844 : vector<16xi32>
      %broadcast_in_dim3A_846 = vector.shape_cast %add3A_845 : vector<16xi32> to vector<16x1xi32>
      %gather3A_847 = vector.shape_cast %broadcast_in_dim3A_846 : vector<16x1xi32> to vector<16xi32>
      %gather3A_848 = tpu.dynamic_gather %add3A_842[%gather3A_847] in [0] : vector<16xf32>, vector<16xi32> -> vector<16xf32>
      %add3A_849 = arith.addf %add3A_842, %gather3A_848 : vector<16xf32>
      %mul3A_850 = arith.constant 1.000000e-01 : f32
      %mul3A_851 = vector.broadcast %mul3A_850 : f32 to vector<16xf32>
      %mul3A_852 = arith.mulf %add3A_849, %mul3A_851 : vector<16xf32>
      %broadcast_in_dim3A_853 = vector.shape_cast %select_n3A_19 : vector<16xi32> to vector<16x1xi32>
      %gather3A_854 = vector.shape_cast %broadcast_in_dim3A_853 : vector<16x1xi32> to vector<16xi32>
      %gather3A_855 = tpu.dynamic_gather %mul3A_773[%gather3A_854] in [0] : vector<16xf32>, vector<16xi32> -> vector<16xf32>
      %broadcast_in_dim3A_856 = vector.shape_cast %select_n3A_19 : vector<16xi32> to vector<16x1xi32>
      %gather3A_857 = vector.shape_cast %broadcast_in_dim3A_856 : vector<16x1xi32> to vector<16xi32>
      %gather3A_858 = tpu.dynamic_gather %mul3A_852[%gather3A_857] in [0] : vector<16xf32>, vector<16xi32> -> vector<16xf32>
      %mul3A_859 = arith.constant 96 : i32
      %mul3A_860 = arith.muli %scan3A_606, %mul3A_859 : i32
      %swap3A_861 = arith.index_cast %mul3A_860 : i32 to index
      %swap3A_862 = tpu.vector_load %arg9[%swap3A_861] {strides = array<i32>} : memref<49152xf32, #tpu.memory_space<vmem>>, vector<16xf32>,
      tpu.vector_store %arg9[%swap3A_861], %gather3A_629 {strides = array<i32>} : memref<49152xf32, #tpu.memory_space<vmem>>, vector<16xf32>,
      %mul3A_863 = arith.constant 96 : i32
      %mul3A_864 = arith.muli %scan3A_606, %mul3A_863 : i32
      %add3A_865 = arith.constant 16 : i32
      %add3A_866 = arith.addi %mul3A_864, %add3A_865 : i32
      %swap3A_867 = arith.index_cast %add3A_866 : i32 to index
      %swap3A_868 = tpu.vector_load %arg9[%swap3A_867] {strides = array<i32>} : memref<49152xf32, #tpu.memory_space<vmem>>, vector<16xf32>,
      tpu.vector_store %arg9[%swap3A_867], %gather3A_642 {strides = array<i32>} : memref<49152xf32, #tpu.memory_space<vmem>>, vector<16xf32>,
      %select_n3A_869 = arith.select %lt3A_22, %gather3A_655, %gather3A_855 : vector<16xi1>, vector<16xf32>
      %mul3A_870 = arith.constant 96 : i32
      %mul3A_871 = arith.muli %scan3A_606, %mul3A_870 : i32
      %add3A_872 = arith.constant 32 : i32
      %add3A_873 = arith.addi %mul3A_871, %add3A_872 : i32
      %swap3A_874 = arith.index_cast %add3A_873 : i32 to index
      %swap3A_875 = tpu.vector_load %arg9[%swap3A_874] {strides = array<i32>} : memref<49152xf32, #tpu.memory_space<vmem>>, vector<16xf32>,
      tpu.vector_store %arg9[%swap3A_874], %select_n3A_869 {strides = array<i32>} : memref<49152xf32, #tpu.memory_space<vmem>>, vector<16xf32>,
      %mul3A_876 = arith.constant 96 : i32
      %mul3A_877 = arith.muli %scan3A_606, %mul3A_876 : i32
      %add3A_878 = arith.constant 48 : i32
      %add3A_879 = arith.addi %mul3A_877, %add3A_878 : i32
      %swap3A_880 = arith.index_cast %add3A_879 : i32 to index
      %swap3A_881 = tpu.vector_load %arg9[%swap3A_880] {strides = array<i32>} : memref<49152xf32, #tpu.memory_space<vmem>>, vector<16xf32>,
      tpu.vector_store %arg9[%swap3A_880], %gather3A_668 {strides = array<i32>} : memref<49152xf32, #tpu.memory_space<vmem>>, vector<16xf32>,
      %mul3A_882 = arith.constant 96 : i32
      %mul3A_883 = arith.muli %scan3A_606, %mul3A_882 : i32
      %add3A_884 = arith.constant 64 : i32
      %add3A_885 = arith.addi %mul3A_883, %add3A_884 : i32
      %swap3A_886 = arith.index_cast %add3A_885 : i32 to index
      %swap3A_887 = tpu.vector_load %arg9[%swap3A_886] {strides = array<i32>} : memref<49152xf32, #tpu.memory_space<vmem>>, vector<16xf32>,
      tpu.vector_store %arg9[%swap3A_886], %gather3A_681 {strides = array<i32>} : memref<49152xf32, #tpu.memory_space<vmem>>, vector<16xf32>,
      %select_n3A_888 = arith.select %lt3A_22, %gather3A_694, %gather3A_858 : vector<16xi1>, vector<16xf32>
      %mul3A_889 = arith.constant 96 : i32
      %mul3A_890 = arith.muli %scan3A_606, %mul3A_889 : i32
      %add3A_891 = arith.constant 80 : i32
      %add3A_892 = arith.addi %mul3A_890, %add3A_891 : i32
      %swap3A_893 = arith.index_cast %add3A_892 : i32 to index
      %swap3A_894 = tpu.vector_load %arg9[%swap3A_893] {strides = array<i32>} : memref<49152xf32, #tpu.memory_space<vmem>>, vector<16xf32>,
      tpu.vector_store %arg9[%swap3A_893], %select_n3A_888 {strides = array<i32>} : memref<49152xf32, #tpu.memory_space<vmem>>, vector<16xf32>,
      %scan3A_895 = arith.constant 3 : i32
      %scan3A_896 = arith.addi %scan3A_30, %scan3A_895 : i32
      %mul3A_897 = arith.constant 32 : i32
      %mul3A_898 = arith.muli %scan3A_896, %mul3A_897 : i32
      %get3A_899 = arith.index_cast %mul3A_898 : i32 to index
      %get3A_900 = tpu.vector_load %arg6[%get3A_899] {strides = array<i32>} : memref<16384xi32, #tpu.memory_space<vmem>>, vector<16xi32>,
      %mul3A_901 = arith.constant 32 : i32
      %mul3A_902 = arith.muli %scan3A_896, %mul3A_901 : i32
      %add3A_903 = arith.constant 16 : i32
      %add3A_904 = arith.addi %mul3A_902, %add3A_903 : i32
      %get3A_905 = arith.index_cast %add3A_904 : i32 to index
      %get3A_906 = tpu.vector_load %arg6[%get3A_905] {strides = array<i32>} : memref<16384xi32, #tpu.memory_space<vmem>>, vector<16xi32>,
      %jit3A_907 = arith.constant 0 : i32
      %jit3A_908 = arith.constant 1 : i32
      %broadcast_in_dim3A_909 = vector.broadcast %jit3A_907 : i32 to vector<16xi32>
      %broadcast_in_dim3A_910 = vector.broadcast %jit3A_908 : i32 to vector<16xi32>
      %select_n3A_911 = arith.select %lt3A_22, %broadcast_in_dim3A_909, %broadcast_in_dim3A_910 : vector<16xi1>, vector<16xi32>
      %broadcast_in_dim3A_912 = vector.shape_cast %select_n3A_911 : vector<16xi32> to vector<16x1xi32>
      %gather3A_913 = vector.shape_cast %broadcast_in_dim3A_912 : vector<16x1xi32> to vector<16xi32>
      %gather3A_914 = tpu.dynamic_gather %get3A_900[%gather3A_913] in [0] : vector<16xi32>, vector<16xi32> -> vector<16xi32>
      %mul3A_915 = arith.constant 8 : i32
      %mul3A_916 = vector.broadcast %mul3A_915 : i32 to vector<16xi32>
      %mul3A_917 = arith.muli %gather3A_914, %mul3A_916 : vector<16xi32>
      %add3A_918 = arith.addi %mul3A_917, %select_n3A_19 : vector<16xi32>
      %gather3A_919 = tpu.vector_load_idx %arg7[%add3A_918] : memref<208xf32, #tpu.memory_space<vmem>>[vector<16xi32>], vector<16xf32>,
      %jit3A_920 = arith.constant 2 : i32
      %jit3A_921 = arith.constant 3 : i32
      %broadcast_in_dim3A_922 = vector.broadcast %jit3A_920 : i32 to vector<16xi32>
      %broadcast_in_dim3A_923 = vector.broadcast %jit3A_921 : i32 to vector<16xi32>
      %select_n3A_924 = arith.select %lt3A_22, %broadcast_in_dim3A_922, %broadcast_in_dim3A_923 : vector<16xi1>, vector<16xi32>
      %broadcast_in_dim3A_925 = vector.shape_cast %select_n3A_924 : vector<16xi32> to vector<16x1xi32>
      %gather3A_926 = vector.shape_cast %broadcast_in_dim3A_925 : vector<16x1xi32> to vector<16xi32>
      %gather3A_927 = tpu.dynamic_gather %get3A_900[%gather3A_926] in [0] : vector<16xi32>, vector<16xi32> -> vector<16xi32>
      %mul3A_928 = arith.constant 8 : i32
      %mul3A_929 = vector.broadcast %mul3A_928 : i32 to vector<16xi32>
      %mul3A_930 = arith.muli %gather3A_927, %mul3A_929 : vector<16xi32>
      %add3A_931 = arith.addi %mul3A_930, %select_n3A_19 : vector<16xi32>
      %gather3A_932 = tpu.vector_load_idx %arg7[%add3A_931] : memref<208xf32, #tpu.memory_space<vmem>>[vector<16xi32>], vector<16xf32>,
      %jit3A_933 = arith.constant 4 : i32
      %jit3A_934 = arith.constant 4 : i32
      %broadcast_in_dim3A_935 = vector.broadcast %jit3A_933 : i32 to vector<16xi32>
      %broadcast_in_dim3A_936 = vector.broadcast %jit3A_934 : i32 to vector<16xi32>
      %select_n3A_937 = arith.select %lt3A_22, %broadcast_in_dim3A_935, %broadcast_in_dim3A_936 : vector<16xi1>, vector<16xi32>
      %broadcast_in_dim3A_938 = vector.shape_cast %select_n3A_937 : vector<16xi32> to vector<16x1xi32>
      %gather3A_939 = vector.shape_cast %broadcast_in_dim3A_938 : vector<16x1xi32> to vector<16xi32>
      %gather3A_940 = tpu.dynamic_gather %get3A_900[%gather3A_939] in [0] : vector<16xi32>, vector<16xi32> -> vector<16xi32>
      %mul3A_941 = arith.constant 8 : i32
      %mul3A_942 = vector.broadcast %mul3A_941 : i32 to vector<16xi32>
      %mul3A_943 = arith.muli %gather3A_940, %mul3A_942 : vector<16xi32>
      %add3A_944 = arith.addi %mul3A_943, %select_n3A_19 : vector<16xi32>
      %gather3A_945 = tpu.vector_load_idx %arg7[%add3A_944] : memref<208xf32, #tpu.memory_space<vmem>>[vector<16xi32>], vector<16xf32>,
      %jit3A_946 = arith.constant 5 : i32
      %jit3A_947 = arith.constant 6 : i32
      %broadcast_in_dim3A_948 = vector.broadcast %jit3A_946 : i32 to vector<16xi32>
      %broadcast_in_dim3A_949 = vector.broadcast %jit3A_947 : i32 to vector<16xi32>
      %select_n3A_950 = arith.select %lt3A_22, %broadcast_in_dim3A_948, %broadcast_in_dim3A_949 : vector<16xi1>, vector<16xi32>
      %broadcast_in_dim3A_951 = vector.shape_cast %select_n3A_950 : vector<16xi32> to vector<16x1xi32>
      %gather3A_952 = vector.shape_cast %broadcast_in_dim3A_951 : vector<16x1xi32> to vector<16xi32>
      %gather3A_953 = tpu.dynamic_gather %get3A_900[%gather3A_952] in [0] : vector<16xi32>, vector<16xi32> -> vector<16xi32>
      %mul3A_954 = arith.constant 8 : i32
      %mul3A_955 = vector.broadcast %mul3A_954 : i32 to vector<16xi32>
      %mul3A_956 = arith.muli %gather3A_953, %mul3A_955 : vector<16xi32>
      %add3A_957 = arith.addi %mul3A_956, %select_n3A_19 : vector<16xi32>
      %gather3A_958 = tpu.vector_load_idx %arg8[%add3A_957] : memref<216xf32, #tpu.memory_space<vmem>>[vector<16xi32>], vector<16xf32>,
      %jit3A_959 = arith.constant 7 : i32
      %jit3A_960 = arith.constant 8 : i32
      %broadcast_in_dim3A_961 = vector.broadcast %jit3A_959 : i32 to vector<16xi32>
      %broadcast_in_dim3A_962 = vector.broadcast %jit3A_960 : i32 to vector<16xi32>
      %select_n3A_963 = arith.select %lt3A_22, %broadcast_in_dim3A_961, %broadcast_in_dim3A_962 : vector<16xi1>, vector<16xi32>
      %broadcast_in_dim3A_964 = vector.shape_cast %select_n3A_963 : vector<16xi32> to vector<16x1xi32>
      %gather3A_965 = vector.shape_cast %broadcast_in_dim3A_964 : vector<16x1xi32> to vector<16xi32>
      %gather3A_966 = tpu.dynamic_gather %get3A_900[%gather3A_965] in [0] : vector<16xi32>, vector<16xi32> -> vector<16xi32>
      %mul3A_967 = arith.constant 8 : i32
      %mul3A_968 = vector.broadcast %mul3A_967 : i32 to vector<16xi32>
      %mul3A_969 = arith.muli %gather3A_966, %mul3A_968 : vector<16xi32>
      %add3A_970 = arith.addi %mul3A_969, %select_n3A_19 : vector<16xi32>
      %gather3A_971 = tpu.vector_load_idx %arg8[%add3A_970] : memref<216xf32, #tpu.memory_space<vmem>>[vector<16xi32>], vector<16xf32>,
      %jit3A_972 = arith.constant 9 : i32
      %jit3A_973 = arith.constant 9 : i32
      %broadcast_in_dim3A_974 = vector.broadcast %jit3A_972 : i32 to vector<16xi32>
      %broadcast_in_dim3A_975 = vector.broadcast %jit3A_973 : i32 to vector<16xi32>
      %select_n3A_976 = arith.select %lt3A_22, %broadcast_in_dim3A_974, %broadcast_in_dim3A_975 : vector<16xi1>, vector<16xi32>
      %broadcast_in_dim3A_977 = vector.shape_cast %select_n3A_976 : vector<16xi32> to vector<16x1xi32>
      %gather3A_978 = vector.shape_cast %broadcast_in_dim3A_977 : vector<16x1xi32> to vector<16xi32>
      %gather3A_979 = tpu.dynamic_gather %get3A_900[%gather3A_978] in [0] : vector<16xi32>, vector<16xi32> -> vector<16xi32>
      %mul3A_980 = arith.constant 8 : i32
      %mul3A_981 = vector.broadcast %mul3A_980 : i32 to vector<16xi32>
      %mul3A_982 = arith.muli %gather3A_979, %mul3A_981 : vector<16xi32>
      %add3A_983 = arith.addi %mul3A_982, %select_n3A_19 : vector<16xi32>
      %gather3A_984 = tpu.vector_load_idx %arg8[%add3A_983] : memref<216xf32, #tpu.memory_space<vmem>>[vector<16xi32>], vector<16xf32>,
      %jit3A_985 = arith.constant 10 : i32
      %jit3A_986 = arith.constant 11 : i32
      %broadcast_in_dim3A_987 = vector.broadcast %jit3A_985 : i32 to vector<16xi32>
      %broadcast_in_dim3A_988 = vector.broadcast %jit3A_986 : i32 to vector<16xi32>
      %select_n3A_989 = arith.select %lt3A_22, %broadcast_in_dim3A_987, %broadcast_in_dim3A_988 : vector<16xi1>, vector<16xi32>
      %broadcast_in_dim3A_990 = vector.shape_cast %select_n3A_989 : vector<16xi32> to vector<16x1xi32>
      %gather3A_991 = vector.shape_cast %broadcast_in_dim3A_990 : vector<16x1xi32> to vector<16xi32>
      %gather3A_992 = tpu.dynamic_gather %get3A_900[%gather3A_991] in [0] : vector<16xi32>, vector<16xi32> -> vector<16xi32>
      %mul3A_993 = arith.constant 8 : i32
      %mul3A_994 = vector.broadcast %mul3A_993 : i32 to vector<16xi32>
      %mul3A_995 = arith.muli %gather3A_992, %mul3A_994 : vector<16xi32>
      %add3A_996 = arith.addi %mul3A_995, %select_n3A_19 : vector<16xi32>
      %gather3A_997 = tpu.vector_load_idx %arg7[%add3A_996] : memref<208xf32, #tpu.memory_space<vmem>>[vector<16xi32>], vector<16xf32>,
      %jit3A_998 = arith.constant 12 : i32
      %jit3A_999 = arith.constant 13 : i32
      %broadcast_in_dim3A_1000 = vector.broadcast %jit3A_998 : i32 to vector<16xi32>
      %broadcast_in_dim3A_1001 = vector.broadcast %jit3A_999 : i32 to vector<16xi32>
      %select_n3A_1002 = arith.select %lt3A_22, %broadcast_in_dim3A_1000, %broadcast_in_dim3A_1001 : vector<16xi1>, vector<16xi32>
      %broadcast_in_dim3A_1003 = vector.shape_cast %select_n3A_1002 : vector<16xi32> to vector<16x1xi32>
      %gather3A_1004 = vector.shape_cast %broadcast_in_dim3A_1003 : vector<16x1xi32> to vector<16xi32>
      %gather3A_1005 = tpu.dynamic_gather %get3A_900[%gather3A_1004] in [0] : vector<16xi32>, vector<16xi32> -> vector<16xi32>
      %mul3A_1006 = arith.constant 8 : i32
      %mul3A_1007 = vector.broadcast %mul3A_1006 : i32 to vector<16xi32>
      %mul3A_1008 = arith.muli %gather3A_1005, %mul3A_1007 : vector<16xi32>
      %add3A_1009 = arith.addi %mul3A_1008, %select_n3A_19 : vector<16xi32>
      %gather3A_1010 = tpu.vector_load_idx %arg7[%add3A_1009] : memref<208xf32, #tpu.memory_space<vmem>>[vector<16xi32>], vector<16xf32>,
      %jit3A_1011 = arith.constant 14 : i32
      %jit3A_1012 = arith.constant 15 : i32
      %broadcast_in_dim3A_1013 = vector.broadcast %jit3A_1011 : i32 to vector<16xi32>
      %broadcast_in_dim3A_1014 = vector.broadcast %jit3A_1012 : i32 to vector<16xi32>
      %select_n3A_1015 = arith.select %lt3A_22, %broadcast_in_dim3A_1013, %broadcast_in_dim3A_1014 : vector<16xi1>, vector<16xi32>
      %broadcast_in_dim3A_1016 = vector.shape_cast %select_n3A_1015 : vector<16xi32> to vector<16x1xi32>
      %gather3A_1017 = vector.shape_cast %broadcast_in_dim3A_1016 : vector<16x1xi32> to vector<16xi32>
      %gather3A_1018 = tpu.dynamic_gather %get3A_900[%gather3A_1017] in [0] : vector<16xi32>, vector<16xi32> -> vector<16xi32>
      %mul3A_1019 = arith.constant 8 : i32
      %mul3A_1020 = vector.broadcast %mul3A_1019 : i32 to vector<16xi32>
      %mul3A_1021 = arith.muli %gather3A_1018, %mul3A_1020 : vector<16xi32>
      %add3A_1022 = arith.addi %mul3A_1021, %select_n3A_19 : vector<16xi32>
      %gather3A_1023 = tpu.vector_load_idx %arg7[%add3A_1022] : memref<208xf32, #tpu.memory_space<vmem>>[vector<16xi32>], vector<16xf32>,
      %jit3A_1024 = arith.constant 0 : i32
      %jit3A_1025 = arith.constant 1 : i32
      %broadcast_in_dim3A_1026 = vector.broadcast %jit3A_1024 : i32 to vector<16xi32>
      %broadcast_in_dim3A_1027 = vector.broadcast %jit3A_1025 : i32 to vector<16xi32>
      %select_n3A_1028 = arith.select %lt3A_22, %broadcast_in_dim3A_1026, %broadcast_in_dim3A_1027 : vector<16xi1>, vector<16xi32>
      %broadcast_in_dim3A_1029 = vector.shape_cast %select_n3A_1028 : vector<16xi32> to vector<16x1xi32>
      %gather3A_1030 = vector.shape_cast %broadcast_in_dim3A_1029 : vector<16x1xi32> to vector<16xi32>
      %gather3A_1031 = tpu.dynamic_gather %get3A_906[%gather3A_1030] in [0] : vector<16xi32>, vector<16xi32> -> vector<16xi32>
      %mul3A_1032 = arith.constant 8 : i32
      %mul3A_1033 = vector.broadcast %mul3A_1032 : i32 to vector<16xi32>
      %mul3A_1034 = arith.muli %gather3A_1031, %mul3A_1033 : vector<16xi32>
      %add3A_1035 = arith.addi %mul3A_1034, %select_n3A_19 : vector<16xi32>
      %gather3A_1036 = tpu.vector_load_idx %arg7[%add3A_1035] : memref<208xf32, #tpu.memory_space<vmem>>[vector<16xi32>], vector<16xf32>,
      %jit3A_1037 = arith.constant 2 : i32
      %jit3A_1038 = arith.constant 3 : i32
      %broadcast_in_dim3A_1039 = vector.broadcast %jit3A_1037 : i32 to vector<16xi32>
      %broadcast_in_dim3A_1040 = vector.broadcast %jit3A_1038 : i32 to vector<16xi32>
      %select_n3A_1041 = arith.select %lt3A_22, %broadcast_in_dim3A_1039, %broadcast_in_dim3A_1040 : vector<16xi1>, vector<16xi32>
      %broadcast_in_dim3A_1042 = vector.shape_cast %select_n3A_1041 : vector<16xi32> to vector<16x1xi32>
      %gather3A_1043 = vector.shape_cast %broadcast_in_dim3A_1042 : vector<16x1xi32> to vector<16xi32>
      %gather3A_1044 = tpu.dynamic_gather %get3A_906[%gather3A_1043] in [0] : vector<16xi32>, vector<16xi32> -> vector<16xi32>
      %mul3A_1045 = arith.constant 8 : i32
      %mul3A_1046 = vector.broadcast %mul3A_1045 : i32 to vector<16xi32>
      %mul3A_1047 = arith.muli %gather3A_1044, %mul3A_1046 : vector<16xi32>
      %add3A_1048 = arith.addi %mul3A_1047, %select_n3A_19 : vector<16xi32>
      %gather3A_1049 = tpu.vector_load_idx %arg7[%add3A_1048] : memref<208xf32, #tpu.memory_space<vmem>>[vector<16xi32>], vector<16xf32>,
      %add3A_1050 = arith.addf %gather3A_997, %gather3A_1010 : vector<16xf32>
      %add3A_1051 = arith.addf %add3A_1050, %gather3A_1023 : vector<16xf32>
      %add3A_1052 = arith.addf %add3A_1051, %gather3A_1036 : vector<16xf32>
      %add3A_1053 = arith.addf %add3A_1052, %gather3A_1049 : vector<16xf32>
      %add3A_1054 = arith.constant 8 : i32
      %add3A_1055 = vector.broadcast %add3A_1054 : i32 to vector<16xi32>
      %add3A_1056 = arith.addi %select_n3A_19, %add3A_1055 : vector<16xi32>
      %broadcast_in_dim3A_1057 = vector.shape_cast %add3A_1056 : vector<16xi32> to vector<16x1xi32>
      %gather3A_1058 = vector.shape_cast %broadcast_in_dim3A_1057 : vector<16x1xi32> to vector<16xi32>
      %gather3A_1059 = tpu.dynamic_gather %add3A_1053[%gather3A_1058] in [0] : vector<16xf32>, vector<16xi32> -> vector<16xf32>
      %add3A_1060 = arith.addf %add3A_1053, %gather3A_1059 : vector<16xf32>
      %mul3A_1061 = arith.constant 1.000000e-01 : f32
      %mul3A_1062 = vector.broadcast %mul3A_1061 : f32 to vector<16xf32>
      %mul3A_1063 = arith.mulf %add3A_1060, %mul3A_1062 : vector<16xf32>
      %jit3A_1064 = arith.constant 4 : i32
      %jit3A_1065 = arith.constant 5 : i32
      %broadcast_in_dim3A_1066 = vector.broadcast %jit3A_1064 : i32 to vector<16xi32>
      %broadcast_in_dim3A_1067 = vector.broadcast %jit3A_1065 : i32 to vector<16xi32>
      %select_n3A_1068 = arith.select %lt3A_22, %broadcast_in_dim3A_1066, %broadcast_in_dim3A_1067 : vector<16xi1>, vector<16xi32>
      %broadcast_in_dim3A_1069 = vector.shape_cast %select_n3A_1068 : vector<16xi32> to vector<16x1xi32>
      %gather3A_1070 = vector.shape_cast %broadcast_in_dim3A_1069 : vector<16x1xi32> to vector<16xi32>
      %gather3A_1071 = tpu.dynamic_gather %get3A_906[%gather3A_1070] in [0] : vector<16xi32>, vector<16xi32> -> vector<16xi32>
      %mul3A_1072 = arith.constant 8 : i32
      %mul3A_1073 = vector.broadcast %mul3A_1072 : i32 to vector<16xi32>
      %mul3A_1074 = arith.muli %gather3A_1071, %mul3A_1073 : vector<16xi32>
      %add3A_1075 = arith.addi %mul3A_1074, %select_n3A_19 : vector<16xi32>
      %gather3A_1076 = tpu.vector_load_idx %arg7[%add3A_1075] : memref<208xf32, #tpu.memory_space<vmem>>[vector<16xi32>], vector<16xf32>,
      %jit3A_1077 = arith.constant 6 : i32
      %jit3A_1078 = arith.constant 7 : i32
      %broadcast_in_dim3A_1079 = vector.broadcast %jit3A_1077 : i32 to vector<16xi32>
      %broadcast_in_dim3A_1080 = vector.broadcast %jit3A_1078 : i32 to vector<16xi32>
      %select_n3A_1081 = arith.select %lt3A_22, %broadcast_in_dim3A_1079, %broadcast_in_dim3A_1080 : vector<16xi1>, vector<16xi32>
      %broadcast_in_dim3A_1082 = vector.shape_cast %select_n3A_1081 : vector<16xi32> to vector<16x1xi32>
      %gather3A_1083 = vector.shape_cast %broadcast_in_dim3A_1082 : vector<16x1xi32> to vector<16xi32>
      %gather3A_1084 = tpu.dynamic_gather %get3A_906[%gather3A_1083] in [0] : vector<16xi32>, vector<16xi32> -> vector<16xi32>
      %mul3A_1085 = arith.constant 8 : i32
      %mul3A_1086 = vector.broadcast %mul3A_1085 : i32 to vector<16xi32>
      %mul3A_1087 = arith.muli %gather3A_1084, %mul3A_1086 : vector<16xi32>
      %add3A_1088 = arith.addi %mul3A_1087, %select_n3A_19 : vector<16xi32>
      %gather3A_1089 = tpu.vector_load_idx %arg7[%add3A_1088] : memref<208xf32, #tpu.memory_space<vmem>>[vector<16xi32>], vector<16xf32>,
      %jit3A_1090 = arith.constant 8 : i32
      %jit3A_1091 = arith.constant 9 : i32
      %broadcast_in_dim3A_1092 = vector.broadcast %jit3A_1090 : i32 to vector<16xi32>
      %broadcast_in_dim3A_1093 = vector.broadcast %jit3A_1091 : i32 to vector<16xi32>
      %select_n3A_1094 = arith.select %lt3A_22, %broadcast_in_dim3A_1092, %broadcast_in_dim3A_1093 : vector<16xi1>, vector<16xi32>
      %broadcast_in_dim3A_1095 = vector.shape_cast %select_n3A_1094 : vector<16xi32> to vector<16x1xi32>
      %gather3A_1096 = vector.shape_cast %broadcast_in_dim3A_1095 : vector<16x1xi32> to vector<16xi32>
      %gather3A_1097 = tpu.dynamic_gather %get3A_906[%gather3A_1096] in [0] : vector<16xi32>, vector<16xi32> -> vector<16xi32>
      %mul3A_1098 = arith.constant 8 : i32
      %mul3A_1099 = vector.broadcast %mul3A_1098 : i32 to vector<16xi32>
      %mul3A_1100 = arith.muli %gather3A_1097, %mul3A_1099 : vector<16xi32>
      %add3A_1101 = arith.addi %mul3A_1100, %select_n3A_19 : vector<16xi32>
      %gather3A_1102 = tpu.vector_load_idx %arg7[%add3A_1101] : memref<208xf32, #tpu.memory_space<vmem>>[vector<16xi32>], vector<16xf32>,
      %jit3A_1103 = arith.constant 10 : i32
      %jit3A_1104 = arith.constant 11 : i32
      %broadcast_in_dim3A_1105 = vector.broadcast %jit3A_1103 : i32 to vector<16xi32>
      %broadcast_in_dim3A_1106 = vector.broadcast %jit3A_1104 : i32 to vector<16xi32>
      %select_n3A_1107 = arith.select %lt3A_22, %broadcast_in_dim3A_1105, %broadcast_in_dim3A_1106 : vector<16xi1>, vector<16xi32>
      %broadcast_in_dim3A_1108 = vector.shape_cast %select_n3A_1107 : vector<16xi32> to vector<16x1xi32>
      %gather3A_1109 = vector.shape_cast %broadcast_in_dim3A_1108 : vector<16x1xi32> to vector<16xi32>
      %gather3A_1110 = tpu.dynamic_gather %get3A_906[%gather3A_1109] in [0] : vector<16xi32>, vector<16xi32> -> vector<16xi32>
      %mul3A_1111 = arith.constant 8 : i32
      %mul3A_1112 = vector.broadcast %mul3A_1111 : i32 to vector<16xi32>
      %mul3A_1113 = arith.muli %gather3A_1110, %mul3A_1112 : vector<16xi32>
      %add3A_1114 = arith.addi %mul3A_1113, %select_n3A_19 : vector<16xi32>
      %gather3A_1115 = tpu.vector_load_idx %arg7[%add3A_1114] : memref<208xf32, #tpu.memory_space<vmem>>[vector<16xi32>], vector<16xf32>,
      %jit3A_1116 = arith.constant 12 : i32
      %jit3A_1117 = arith.constant 13 : i32
      %broadcast_in_dim3A_1118 = vector.broadcast %jit3A_1116 : i32 to vector<16xi32>
      %broadcast_in_dim3A_1119 = vector.broadcast %jit3A_1117 : i32 to vector<16xi32>
      %select_n3A_1120 = arith.select %lt3A_22, %broadcast_in_dim3A_1118, %broadcast_in_dim3A_1119 : vector<16xi1>, vector<16xi32>
      %broadcast_in_dim3A_1121 = vector.shape_cast %select_n3A_1120 : vector<16xi32> to vector<16x1xi32>
      %gather3A_1122 = vector.shape_cast %broadcast_in_dim3A_1121 : vector<16x1xi32> to vector<16xi32>
      %gather3A_1123 = tpu.dynamic_gather %get3A_906[%gather3A_1122] in [0] : vector<16xi32>, vector<16xi32> -> vector<16xi32>
      %mul3A_1124 = arith.constant 8 : i32
      %mul3A_1125 = vector.broadcast %mul3A_1124 : i32 to vector<16xi32>
      %mul3A_1126 = arith.muli %gather3A_1123, %mul3A_1125 : vector<16xi32>
      %add3A_1127 = arith.addi %mul3A_1126, %select_n3A_19 : vector<16xi32>
      %gather3A_1128 = tpu.vector_load_idx %arg7[%add3A_1127] : memref<208xf32, #tpu.memory_space<vmem>>[vector<16xi32>], vector<16xf32>,
      %add3A_1129 = arith.addf %gather3A_1076, %gather3A_1089 : vector<16xf32>
      %add3A_1130 = arith.addf %add3A_1129, %gather3A_1102 : vector<16xf32>
      %add3A_1131 = arith.addf %add3A_1130, %gather3A_1115 : vector<16xf32>
      %add3A_1132 = arith.addf %add3A_1131, %gather3A_1128 : vector<16xf32>
      %add3A_1133 = arith.constant 8 : i32
      %add3A_1134 = vector.broadcast %add3A_1133 : i32 to vector<16xi32>
      %add3A_1135 = arith.addi %select_n3A_19, %add3A_1134 : vector<16xi32>
      %broadcast_in_dim3A_1136 = vector.shape_cast %add3A_1135 : vector<16xi32> to vector<16x1xi32>
      %gather3A_1137 = vector.shape_cast %broadcast_in_dim3A_1136 : vector<16x1xi32> to vector<16xi32>
      %gather3A_1138 = tpu.dynamic_gather %add3A_1132[%gather3A_1137] in [0] : vector<16xf32>, vector<16xi32> -> vector<16xf32>
      %add3A_1139 = arith.addf %add3A_1132, %gather3A_1138 : vector<16xf32>
      %mul3A_1140 = arith.constant 1.000000e-01 : f32
      %mul3A_1141 = vector.broadcast %mul3A_1140 : f32 to vector<16xf32>
      %mul3A_1142 = arith.mulf %add3A_1139, %mul3A_1141 : vector<16xf32>
      %broadcast_in_dim3A_1143 = vector.shape_cast %select_n3A_19 : vector<16xi32> to vector<16x1xi32>
      %gather3A_1144 = vector.shape_cast %broadcast_in_dim3A_1143 : vector<16x1xi32> to vector<16xi32>
      %gather3A_1145 = tpu.dynamic_gather %mul3A_1063[%gather3A_1144] in [0] : vector<16xf32>, vector<16xi32> -> vector<16xf32>
      %broadcast_in_dim3A_1146 = vector.shape_cast %select_n3A_19 : vector<16xi32> to vector<16x1xi32>
      %gather3A_1147 = vector.shape_cast %broadcast_in_dim3A_1146 : vector<16x1xi32> to vector<16xi32>
      %gather3A_1148 = tpu.dynamic_gather %mul3A_1142[%gather3A_1147] in [0] : vector<16xf32>, vector<16xi32> -> vector<16xf32>
      %mul3A_1149 = arith.constant 96 : i32
      %mul3A_1150 = arith.muli %scan3A_896, %mul3A_1149 : i32
      %swap3A_1151 = arith.index_cast %mul3A_1150 : i32 to index
      %swap3A_1152 = tpu.vector_load %arg9[%swap3A_1151] {strides = array<i32>} : memref<49152xf32, #tpu.memory_space<vmem>>, vector<16xf32>,
      tpu.vector_store %arg9[%swap3A_1151], %gather3A_919 {strides = array<i32>} : memref<49152xf32, #tpu.memory_space<vmem>>, vector<16xf32>,
      %mul3A_1153 = arith.constant 96 : i32
      %mul3A_1154 = arith.muli %scan3A_896, %mul3A_1153 : i32
      %add3A_1155 = arith.constant 16 : i32
      %add3A_1156 = arith.addi %mul3A_1154, %add3A_1155 : i32
      %swap3A_1157 = arith.index_cast %add3A_1156 : i32 to index
      %swap3A_1158 = tpu.vector_load %arg9[%swap3A_1157] {strides = array<i32>} : memref<49152xf32, #tpu.memory_space<vmem>>, vector<16xf32>,
      tpu.vector_store %arg9[%swap3A_1157], %gather3A_932 {strides = array<i32>} : memref<49152xf32, #tpu.memory_space<vmem>>, vector<16xf32>,
      %select_n3A_1159 = arith.select %lt3A_22, %gather3A_945, %gather3A_1145 : vector<16xi1>, vector<16xf32>
      %mul3A_1160 = arith.constant 96 : i32
      %mul3A_1161 = arith.muli %scan3A_896, %mul3A_1160 : i32
      %add3A_1162 = arith.constant 32 : i32
      %add3A_1163 = arith.addi %mul3A_1161, %add3A_1162 : i32
      %swap3A_1164 = arith.index_cast %add3A_1163 : i32 to index
      %swap3A_1165 = tpu.vector_load %arg9[%swap3A_1164] {strides = array<i32>} : memref<49152xf32, #tpu.memory_space<vmem>>, vector<16xf32>,
      tpu.vector_store %arg9[%swap3A_1164], %select_n3A_1159 {strides = array<i32>} : memref<49152xf32, #tpu.memory_space<vmem>>, vector<16xf32>,
      %mul3A_1166 = arith.constant 96 : i32
      %mul3A_1167 = arith.muli %scan3A_896, %mul3A_1166 : i32
      %add3A_1168 = arith.constant 48 : i32
      %add3A_1169 = arith.addi %mul3A_1167, %add3A_1168 : i32
      %swap3A_1170 = arith.index_cast %add3A_1169 : i32 to index
      %swap3A_1171 = tpu.vector_load %arg9[%swap3A_1170] {strides = array<i32>} : memref<49152xf32, #tpu.memory_space<vmem>>, vector<16xf32>,
      tpu.vector_store %arg9[%swap3A_1170], %gather3A_958 {strides = array<i32>} : memref<49152xf32, #tpu.memory_space<vmem>>, vector<16xf32>,
      %mul3A_1172 = arith.constant 96 : i32
      %mul3A_1173 = arith.muli %scan3A_896, %mul3A_1172 : i32
      %add3A_1174 = arith.constant 64 : i32
      %add3A_1175 = arith.addi %mul3A_1173, %add3A_1174 : i32
      %swap3A_1176 = arith.index_cast %add3A_1175 : i32 to index
      %swap3A_1177 = tpu.vector_load %arg9[%swap3A_1176] {strides = array<i32>} : memref<49152xf32, #tpu.memory_space<vmem>>, vector<16xf32>,
      tpu.vector_store %arg9[%swap3A_1176], %gather3A_971 {strides = array<i32>} : memref<49152xf32, #tpu.memory_space<vmem>>, vector<16xf32>,
      %select_n3A_1178 = arith.select %lt3A_22, %gather3A_984, %gather3A_1148 : vector<16xi1>, vector<16xf32>
      %mul3A_1179 = arith.constant 96 : i32
      %mul3A_1180 = arith.muli %scan3A_896, %mul3A_1179 : i32
      %add3A_1181 = arith.constant 80 : i32
      %add3A_1182 = arith.addi %mul3A_1180, %add3A_1181 : i32
      %swap3A_1183 = arith.index_cast %add3A_1182 : i32 to index
      %swap3A_1184 = tpu.vector_load %arg9[%swap3A_1183] {strides = array<i32>} : memref<49152xf32, #tpu.memory_space<vmem>>, vector<16xf32>,
      tpu.vector_store %arg9[%swap3A_1183], %select_n3A_1178 {strides = array<i32>} : memref<49152xf32, #tpu.memory_space<vmem>>, vector<16xf32>,
    }
    %scan3A_27 = arith.constant 512 : i32
    %mul3A_28 = arith.constant 96 : i32
    %mul3A_29 = arith.muli %mul3A_2, %mul3A_28 : i32
    "tpu.region"() ({
      %run_scoped3A = tpu.sem_alloc : memref<!tpu.dma_semaphore, #tpu.memory_space<semaphore_mem>>
      %dma_start3A = tpu.memref_slice %arg5[%mul3A_29] : memref<1572864xf32, #tpu.memory_space<hbm>> -> memref<49152xf32, #tpu.memory_space<hbm>>
      %dma_start3A_30 = tpu.memref_slice %arg5[%mul3A_29] : memref<1572864xf32, #tpu.memory_space<hbm>> -> memref<49152xf32, #tpu.memory_space<hbm>>
      tpu.enqueue_dma source(%arg9 : memref<49152xf32, #tpu.memory_space<vmem>>) target(%dma_start3A_30 : memref<49152xf32, #tpu.memory_space<hbm>>) target_semaphore(%run_scoped3A : memref<!tpu.dma_semaphore, #tpu.memory_space<semaphore_mem>>)
      %dma_wait3A = tpu.memref_slice %arg5[%mul3A_29] : memref<1572864xf32, #tpu.memory_space<hbm>> -> memref<49152xf32, #tpu.memory_space<hbm>>
      %dma_wait3A_31 = tpu.memref_slice %arg5[%mul3A_29] : memref<1572864xf32, #tpu.memory_space<hbm>> -> memref<49152xf32, #tpu.memory_space<hbm>>
      tpu.wait_dma2 semaphore(%run_scoped3A : memref<!tpu.dma_semaphore, #tpu.memory_space<semaphore_mem>>) src(%arg9 : memref<49152xf32, #tpu.memory_space<vmem>>) dst(%dma_wait3A_31 : memref<49152xf32, #tpu.memory_space<hbm>>)
      tpu.yield
    }) : () -> ()
    return
  }
}

module attributes {stable_mosaic.version = 14 : i64} {
  func.func @_mlp_body(%arg0: i32, %arg1: memref<8192x96xf32, #tpu.memory_space<vmem>>, %arg2: memref<96x256xf32, #tpu.memory_space<vmem>>, %arg3: memref<1x256xbf16, #tpu.memory_space<vmem>>, %arg4: memref<256x1xbf16, #tpu.memory_space<vmem>>, %arg5: memref<1x1xf32, #tpu.memory_space<vmem>>, %arg6: memref<8192x1xf32, #tpu.memory_space<vmem>>, %arg7: memref<96x256xbf16, #tpu.memory_space<vmem>>) attributes {dimension_semantics = [#tpu.dimension_semantics<arbitrary>], iteration_bounds = array<i64: 2>, scalar_prefetch = 0 : i64, scratch_operands = 1 : i64, tpu.core_type = #tpu.core_type<tc>, window_params = [{transform_indices = @transform_0, window_bounds = array<i64: 8192, 96>}, {pipeline_mode = #tpu.pipeline_mode<synchronous>, transform_indices = @transform_1, window_bounds = array<i64: 96, 256>}, {pipeline_mode = #tpu.pipeline_mode<synchronous>, transform_indices = @transform_2, window_bounds = array<i64: 1, 256>}, {pipeline_mode = #tpu.pipeline_mode<synchronous>, transform_indices = @transform_3, window_bounds = array<i64: 256, 1>}, {pipeline_mode = #tpu.pipeline_mode<synchronous>, transform_indices = @transform_4, window_bounds = array<i64: 1, 1>}, {transform_indices = @transform_5, window_bounds = array<i64: 8192, 1>}]} {
    %eq3A = arith.constant 0 : i32
    %eq3A_0 = arith.cmpi eq, %arg0, %eq3A : i32
    %convert_element_type3A = arith.extui %eq3A_0 : i1 to i32
    %cond3A = arith.constant 0 : i32
    %cond3A_1 = arith.cmpi ne, %convert_element_type3A, %cond3A : i32
    scf.if %cond3A_1 {
      %get3A_29 = arith.constant 0 : index
      %get3A_30 = arith.constant 0 : index
      %get3A_31 = vector.load %arg2[%get3A_29, %get3A_30] : memref<96x256xf32, #tpu.memory_space<vmem>>, vector<96x256xf32>
      %slice3A = vector.extract_strided_slice %get3A_31 {offsets = [0, 0], sizes = [40, 256], strides = [1, 1]} : vector<96x256xf32> to vector<40x256xf32>
      %slice3A_32 = vector.extract_strided_slice %get3A_31 {offsets = [80, 0], sizes = [8, 256], strides = [1, 1]} : vector<96x256xf32> to vector<8x256xf32>
      %slice3A_33 = vector.extract_strided_slice %get3A_31 {offsets = [40, 0], sizes = [40, 256], strides = [1, 1]} : vector<96x256xf32> to vector<40x256xf32>
      %slice3A_34 = vector.extract_strided_slice %get3A_31 {offsets = [88, 0], sizes = [8, 256], strides = [1, 1]} : vector<96x256xf32> to vector<8x256xf32>
      %concatenate3A = tpu.concatenate %slice3A, %slice3A_32, %slice3A_33, %slice3A_34 in 0 : vector<40x256xf32>, vector<8x256xf32>, vector<40x256xf32>, vector<8x256xf32> -> vector<96x256xf32>
      %convert_element_type3A_35 = arith.truncf %concatenate3A : vector<96x256xf32> to vector<96x256xbf16>
      %swap3A_36 = arith.constant 0 : index
      %swap3A_37 = arith.constant 0 : index
      %swap3A_38 = vector.load %arg7[%swap3A_36, %swap3A_37] : memref<96x256xbf16, #tpu.memory_space<vmem>>, vector<96x256xbf16>
      tpu.vector_store %arg7[%swap3A_36, %swap3A_37], %convert_element_type3A_35 {strides = array<i32>} : memref<96x256xbf16, #tpu.memory_space<vmem>>, vector<96x256xbf16>,
    } else {
    }
    %get3A = arith.constant 0 : index
    %get3A_2 = arith.constant 0 : index
    %get3A_3 = vector.load %arg1[%get3A, %get3A_2] : memref<8192x96xf32, #tpu.memory_space<vmem>>, vector<8192x96xf32>
    %convert_element_type3A_4 = arith.truncf %get3A_3 : vector<8192x96xf32> to vector<8192x96xbf16>
    %get3A_5 = arith.constant 0 : index
    %get3A_6 = arith.constant 0 : index
    %get3A_7 = vector.load %arg7[%get3A_5, %get3A_6] : memref<96x256xbf16, #tpu.memory_space<vmem>>, vector<96x256xbf16>
    %dot_general3A = arith.constant dense<0.000000e+00> : vector<8192x256xf32>
    %dot_general3A_8 = tpu.matmul %convert_element_type3A_4, %get3A_7, %dot_general3A {dimension_numbers = #tpu.dot_dimension_numbers<[1], [0], [0], [1], [0, 0, 1, 1], [], []>, transpose_lhs_hint = false} : vector<8192x96xbf16>, vector<96x256xbf16>, vector<8192x256xf32> -> vector<8192x256xf32>
    %get3A_9 = arith.constant 0 : index
    %get3A_10 = arith.constant 0 : index
    %get3A_11 = vector.load %arg3[%get3A_9, %get3A_10] : memref<1x256xbf16, #tpu.memory_space<vmem>>, vector<1x256xbf16>
    %convert_element_type3A_12 = arith.extf %get3A_11 : vector<1x256xbf16> to vector<1x256xf32>
    %add3A = vector.broadcast %convert_element_type3A_12 : vector<1x256xf32> to vector<8192x256xf32>
    %add3A_13 = arith.addf %dot_general3A_8, %add3A : vector<8192x256xf32>
    %max3A = arith.constant 0.000000e+00 : f32
    %max3A_14 = vector.broadcast %max3A : f32 to vector<8192x256xf32>
    %max3A_15 = arith.maximumf %add3A_13, %max3A_14 : vector<8192x256xf32>
    %convert_element_type3A_16 = arith.truncf %max3A_15 : vector<8192x256xf32> to vector<8192x256xbf16>
    %get3A_17 = arith.constant 0 : index
    %get3A_18 = arith.constant 0 : index
    %get3A_19 = vector.load %arg4[%get3A_17, %get3A_18] : memref<256x1xbf16, #tpu.memory_space<vmem>>, vector<256x1xbf16>
    %dot_general3A_20 = arith.constant dense<0.000000e+00> : vector<8192x1xf32>
    %dot_general3A_21 = tpu.matmul %convert_element_type3A_16, %get3A_19, %dot_general3A_20 {dimension_numbers = #tpu.dot_dimension_numbers<[1], [0], [0], [1], [0, 0, 1, 1], [], []>, transpose_lhs_hint = false} : vector<8192x256xbf16>, vector<256x1xbf16>, vector<8192x1xf32> -> vector<8192x1xf32>
    %get3A_22 = arith.constant 0 : index
    %get3A_23 = arith.constant 0 : index
    %get3A_24 = vector.load %arg5[%get3A_22, %get3A_23] : memref<1x1xf32, #tpu.memory_space<vmem>>, vector<1x1xf32>
    %add3A_25 = vector.broadcast %get3A_24 : vector<1x1xf32> to vector<8192x1xf32>
    %add3A_26 = arith.addf %dot_general3A_21, %add3A_25 : vector<8192x1xf32>
    %swap3A = arith.constant 0 : index
    %swap3A_27 = arith.constant 0 : index
    %swap3A_28 = vector.load %arg6[%swap3A, %swap3A_27] : memref<8192x1xf32, #tpu.memory_space<vmem>>, vector<8192x1xf32>
    tpu.vector_store %arg6[%swap3A, %swap3A_27], %add3A_26 {strides = array<i32>} : memref<8192x1xf32, #tpu.memory_space<vmem>>, vector<8192x1xf32>,
    return
  }
  func.func @transform_0(%arg0: i32) -> (i32, i32) {
    %c0_i32 = arith.constant 0 : i32
    %c0_i32_0 = arith.constant 0 : i32
    return %arg0, %c0_i32 : i32, i32
  }
  func.func @transform_1(%arg0: i32) -> (i32, i32) {
    %c0_i32 = arith.constant 0 : i32
    %c0_i32_0 = arith.constant 0 : i32
    %c0_i32_1 = arith.constant 0 : i32
    return %c0_i32, %c0_i32_0 : i32, i32
  }
  func.func @transform_2(%arg0: i32) -> (i32, i32) {
    %c0_i32 = arith.constant 0 : i32
    %c0_i32_0 = arith.constant 0 : i32
    %c0_i32_1 = arith.constant 0 : i32
    return %c0_i32, %c0_i32_0 : i32, i32
  }
  func.func @transform_3(%arg0: i32) -> (i32, i32) {
    %c0_i32 = arith.constant 0 : i32
    %c0_i32_0 = arith.constant 0 : i32
    %c0_i32_1 = arith.constant 0 : i32
    return %c0_i32, %c0_i32_0 : i32, i32
  }
  func.func @transform_4(%arg0: i32) -> (i32, i32) {
    %c0_i32 = arith.constant 0 : i32
    %c0_i32_0 = arith.constant 0 : i32
    %c0_i32_1 = arith.constant 0 : i32
    return %c0_i32, %c0_i32_0 : i32, i32
  }
  func.func @transform_5(%arg0: i32) -> (i32, i32) {
    %c0_i32 = arith.constant 0 : i32
    %c0_i32_0 = arith.constant 0 : i32
    return %arg0, %c0_i32 : i32, i32
  }
}

</mosaic_0001>

<sc_bundles>
// kernel: kernel.4.cloned.1.call-start
scs
__scs_entry_jumppad:
0x0: {  	(pc) =	sbr.rel $0x88, $3  }
0x1: {  	(tag) =	ssettag $0x0;
	lr =	simm.s32 $0x1  }
0x2: {  	[smem:$0x3F97] =	sst lr;
	_ =	strace $0xD0000000  }
0x3: {  	_ = 	snop  }
0x4: {  	_ = 	snop  }
0x5: {  	_ = 	snop  }
0x6: {  	_ = 	snop  }
0x7: {  	_ = 	snop  }
__scs_overlays_trampoline_lowered:
0x8: {  	[smem:$0x3FA6] =	sst s0  }
0x9: {  	[smem:$0x3FA7] =	sst s1  }
0xa: {  	[smem:$0x3FA8] =	sst s2  }
0xb: {  	[smem:$0x3FA9] =	sst s3  }
0xc: {  	[smem:$0x3FAA] =	sst s4  }
0xd: {  	[smem:$0x3FAB] =	sst s5  }
0xe: {  	[smem:$0x3FAC] =	sst s6  }
0xf: {  	[smem:$0x3FAD] =	sst s7  }
0x10: {  	[smem:$0x3FAE] =	sst s8  }
0x11: {  	[smem:$0x3FAF] =	sst s9;
	s0 =	simm.s32 @!p0 $0x0  }
0x12: {  	s1 =	sld [smem:$0x3F95];
	s0 =	simm.s32 @p0 $0x1  }
0x13: {  	[smem:$0x3FB0] =	sst s0;
	s0 =	simm.s32 @!p1 $0x0  }
0x14: {  	s2 =	sld [smem:$0x3F94];
	s0 =	simm.s32 @p1 $0x1  }
0x15: {  	[smem:$0x3FB1] =	sst s0;
	s0 =	simm.s32 @!p2 $0x0  }
0x16: {  	s3 =	sld [smem:$0x3FDB];
	s0 =	simm.s32 @p2 $0x1  }
0x17: {  	s4 =	simm.s32 $0x1BF5;
	[smem:$0x3FB3] =	sst s0  }
0x18: {  	s0 =	sld [smem:$0x3F96];
	_ =	swait.ge [sflag:s4], $0x0  }
0x19: {  	s7 =	sld [smem:$0x3F97]  }
0x1a: {  	s8 =	sadd.s32 $0xFFFFE003, lr  }
0x1b: {  	s9 =	sadd.s32 $0xFFFFFEF7, lr;
	s5 =	simm.s32 $0xFFFFFFFF;
	p2 =	slt.u32 s8, $0xFFFFF086  }
0x1c: {  	p1 =	slt.u32 s9, $0xF7A;
	s5 =	simm.s32 @!p2 $0x0  }
0x1d: {  	s5 =	simm.s32 @p1 $0x1;
	p0 =	seq.s32 s7, s2  }
0x1e: {  	s7 =	smul.u32 @!p0 $0xF7A, s2;
	p2 =	seq.s32 @!p0 s5, $0x0  }
0x1f: {  	s9 =	smul.u32 $0xF7A, s1;
	s8 =	simm.s32 @!p0 $0x1BF5;
	p2 =	por !p2, p0  }
0x20: {  	[sflag:s8] =	ssyncset.s32 @!p0 $0xFFFFF086;
	s6 =	sadd.s32 @!p0 s3, s7;
	s7 =	simm.s32 @!p0 $0x108  }
0x21: {  	s3 =	sadd.s32 s3, s9;
	s6 =	sadd.s32 @!p0 $0x88, s6;
	s7 =	simm.s32 @p2 $0x1082  }
0x22: {  	[simem:s7], [sflag:s8] =	dma.local @!p0 [hbm:s6], $0xF7A  }
0x23: {  	s9 =	sor.u32 $0xD0000000, s2;
	s6 =	simm.s32 $0x108;
	_ =	swait.ge @!p0 [sflag:s8], $0x0  }
0x24: {  	s3 =	sadd.s32 $0x88, s3;
	s6 =	simm.s32 @!p1 $0x1082;
	[sflag:s4] =	ssyncset.s32 $0xFFFFF086  }
0x25: {  	[simem:s6], [sflag:s4] =	dma.local [hbm:s3], $0xF7A  }
0x26: {  	[smem:$0x3F97] =	sst s1;
	(tag) =	ssettag s2;
	_ =	strace s9  }
0x27: {  	s1 =	sld [smem:$0x3FA7]  }
0x28: {  	s2 =	sld [smem:$0x3FA8]  }
0x29: {  	s4 =	sld [smem:$0x3FAA]  }
0x2a: {  	p0 =	seq.s32 s5, $0x0;
	s5 =	sld [smem:$0x3FAB]  }
0x2b: {  	s6 =	sld [smem:$0x3FAC]  }
0x2c: {  	s7 =	sld [smem:$0x3FAD]  }
0x2d: {  	s3 =	simm.s32 $0x108;
	s8 =	sld [smem:$0x3FAE]  }
0x2e: {  	s3 =	simm.s32 @!p0 $0x1082;
	s9 =	sld [smem:$0x3FAF]  }
0x2f: {  	lr =	sadd.s32 s0, s3;
	s0 =	sld [smem:$0x3FA6]  }
0x30: {  	s3 =	sld [smem:$0x3FA9]  }
0x31: {  	[smem:$0x3FB2] =	sst s10  }
0x32: {  	s10 =	sld [smem:$0x3FB0];
	_ =	sdelay $0x3  }
0x33: {  	p0 =	seq.s32 s10, $0x1;
	s10 =	sld [smem:$0x3FB2];
	_ =	sdelay $0x3  }
0x34: {  	[smem:$0x3FB2] =	sst s10  }
0x35: {  	s10 =	sld [smem:$0x3FB1];
	_ =	sdelay $0x3  }
0x36: {  	p1 =	seq.s32 s10, $0x1;
	s10 =	sld [smem:$0x3FB2];
	_ =	sdelay $0x3  }
0x37: {  	[smem:$0x3FB2] =	sst s10  }
0x38: {  	s10 =	sld [smem:$0x3FB3]  }
0x39: {  	_ = 	snop;
	(pc) =	sbr.ind lr, $3  }
0x3a: {  	_ = 	snop  }
0x3b: {  	_ = 	snop  }
0x3c: {  	p2 =	seq.s32 s10, $0x1;
	s10 =	sld [smem:$0x3FB2]  }
0x3d: {  	_ =	shalt  }
0x3e: {  	_ =	shalt  }
0x3f: {  	_ =	shalt  }
0x40: {  	_ =	shalt  }
0x41: {  	_ =	shalt  }
0x42: {  	_ =	shalt  }
0x43: {  	_ =	shalt  }
0x44: {  	_ =	shalt  }
0x45: {  	_ =	shalt  }
0x46: {  	_ =	shalt  }
0x47: {  	_ =	shalt  }
0x48: {  	_ =	shalt  }
0x49: {  	_ =	shalt  }
0x4a: {  	_ =	shalt  }
0x4b: {  	_ =	shalt  }
0x4c: {  	_ =	shalt  }
0x4d: {  	_ =	shalt  }
0x4e: {  	_ =	shalt  }
0x4f: {  	_ =	shalt  }
0x50: {  	_ =	shalt  }
0x51: {  	_ =	shalt  }
0x52: {  	_ =	shalt  }
0x53: {  	_ =	shalt  }
0x54: {  	_ =	shalt  }
0x55: {  	_ =	shalt  }
0x56: {  	_ =	shalt  }
0x57: {  	_ =	shalt  }
0x58: {  	_ =	shalt  }
0x59: {  	_ =	shalt  }
0x5a: {  	_ =	shalt  }
0x5b: {  	_ =	shalt  }
0x5c: {  	_ =	shalt  }
0x5d: {  	_ =	shalt  }
0x5e: {  	_ =	shalt  }
0x5f: {  	_ =	shalt  }
0x60: {  	_ =	shalt  }
0x61: {  	_ =	shalt  }
0x62: {  	_ =	shalt  }
0x63: {  	_ =	shalt  }
0x64: {  	_ =	shalt  }
0x65: {  	_ =	shalt  }
0x66: {  	_ =	shalt  }
0x67: {  	_ =	shalt  }
0x68: {  	_ =	shalt  }
0x69: {  	_ =	shalt  }
0x6a: {  	_ =	shalt  }
0x6b: {  	_ =	shalt  }
0x6c: {  	_ =	shalt  }
0x6d: {  	_ =	shalt  }
0x6e: {  	_ =	shalt  }
0x6f: {  	_ =	shalt  }
0x70: {  	_ =	shalt  }
0x71: {  	_ =	shalt  }
0x72: {  	_ =	shalt  }
0x73: {  	_ =	shalt  }
0x74: {  	_ =	shalt  }
0x75: {  	_ =	shalt  }
0x76: {  	_ =	shalt  }
0x77: {  	_ =	shalt  }
0x78: {  	_ =	shalt  }
0x79: {  	_ =	shalt  }
0x7a: {  	_ =	shalt  }
0x7b: {  	_ =	shalt  }
0x7c: {  	_ =	shalt  }
0x7d: {  	_ =	shalt  }
0x7e: {  	_ =	shalt  }
0x7f: {  	_ =	shalt  }
0x80: {  	_ =	shalt  }
0x81: {  	_ =	shalt  }
0x82: {  	_ =	shalt  }
0x83: {  	_ =	shalt  }
0x84: {  	_ =	shalt  }
0x85: {  	_ =	shalt  }
0x86: {  	_ =	shalt  }
0x87: {  	_ =	shalt  }
.Lfunc_end0:
.L_simem_size_0:
called_computation_lowered:
.L_overlay_start_0:
0x88: {  	s2 =	sld [smem:$0x3FD9]  }
0x89: {  	s3 =	sld [smem:$0x3FFE];
	_ =	sdelay $0x1  }
0x8a: {  	s1 =	srdreg.scid  }
0x8b: {  	s0 =	sand.u32 $0x1, s1  }
0x8c: {  	s17 =	sshll.u32 s0, $0xA;
	s2 =	sadd.s32 s3, s2  }
0x8d: {  	s2 =	sadd.s32 s2, s17  }
0x8e: {  	[smem:$0x3FBE] =	sst s2  }
0x8f: {  	_ = 	snop  }
0x90: {  	s2 =	sld [smem:$0x3FD0];
	(tm) =	ssettm $0x1  }
0x91: {  	s18 =	sld [smem:$0x3FFB];
	_ =	sdelay $0x3  }
0x92: {  	_ =	strace s18  }
0x93: {  	s3 =	sld [smem:$0x3FFC];
	_ =	sdelay $0x3  }
0x94: {  	_ =	strace s3  }
0x95: {  	s3 =	sld [smem:$0x3FFD];
	_ =	sdelay $0x3  }
0x96: {  	_ =	strace s3  }
0x97: {  	_ =	strace $0x8FFFFFFF  }
0x98: {  	s19 =	sld [smem:$0x3FDB];
	_ =	sdelay $0x1  }
0x99: {  	s4 =	simm.s32 $_scs_section_size  }
0x9a: {  	s5 =	simm.s32 $_size__tile_overlayer_lowered;
	s6 =	simm.s32 $_tile_overlayer_lowered  }
0x9b: {  	s22 =	simm.s32 $0x1BFF;
	s21 =	sshll.u32 s6, $0x1;
	s3 =	sadd.s32 s4, s19  }
0x9c: {  	s7 =	simm.s32 $0x0;
	s20 =	sshll.u32 s5, $0x1;
	s5 =	sadd.s32 s21, s3  }
0x9d: {  	[timem:s7], [sflag:s22] =	dma.local [hbm:s5], s20  }
0x9e: {  	_ =	swait.ge [sflag:s22], s20  }
0x9f: {  	s4 =	ssub.s32 $0x0, s20;
	[sflag:s22] =	ssyncset.done $0x0  }
0xa0: {  	[sflag:s22] =	ssyncadd.s32 s4;
	_ =	sdelay $0x1  }
0xa1: {  	s23 =	simm.s32 $0x1B8B  }
0xa2: {  	_ =	swait.ge [sflag:s23], $0x1  }
0xa3: {  	[sflag:s23] =	ssyncset.done $0x0  }
0xa4: {  	s25 =	simm.s32 $0x1B8E;
	s24 =	sld [smem:$0x3FFE];
	[sflag:s23] =	ssyncadd.s32 $0xFFFFFFFF  }
0xa5: {  	s26 =	simm.s32 $execute0_lowered;
	[smem:$0x3FD2] =	sst s25  }
0xa6: {  	s5 =	sshll.u32 s26, $0x1;
	_ =	strace $0x80000046;
	[dreg:$0x1] =	wrdreg $0xFFFFFFFF  }
0xa7: {  	s28 =	simm.s32 $_size_execute0_lowered;
	s3 =	sadd.s32 s3, s5;
	[dreg:$0x0] =	wrdreg $0x0  }
0xa8: {  	s5 =	sshll.u32 s28, $0x1;
	[dreg:$0x2] =	wrdreg s3  }
0xa9: {  	[dreg:$0x3] =	wrdreg s5  }
0xaa: {  	[dreg:$0x4] =	wrdreg $0xC0  }
0xab: {  	_ =	task [dreg:s7], $0x5FFFF  }
0xac: {  	[dreg:$0x1] =	wrdreg $0xFFFFFFFF  }
0xad: {  	[dreg:$0x0] =	wrdreg $0x60  }
0xae: {  	[dreg:$0x2] =	wrdreg s24  }
0xaf: {  	[dreg:$0x3] =	wrdreg s2  }
0xb0: {  	[dreg:$0x4] =	wrdreg $0x9  }
0xb1: {  	_ =	task.clear_ibuf [dreg:s7], $0x5FFFF;
	_ =	strace $0x90000046  }
0xb2: {  	s29 =	simm.s32 $0x9;
	_ =	strace $0x80000048  }
0xb3: {  	_ =	swait.ge [sflag:s29], $0x1  }
0xb4: {  	[sflag:s29] =	ssyncadd.s32 $0xFFFFFFFF  }
0xb5: {  	_ =	strace $0x90000048  }
0xb6: {  	_ =	sfence  }
0xb7: {  	s30 =	sld [smem:$0x0];
	_ =	sdelay $0x2  }
0xb8: {  	s31 =	sshll.u32 s1, $0xD;
	s1 =	sshrl.u32 s1, $0x2  }
0xb9: {  	s3 =	sand.u32 $0x4000, s31;
	s1 =	sadd.s32 s1, s30  }
0xba: {  	s0 =	sor.u32 s3, s0;
	s1 =	sshll.u32 s1, $0x11  }
0xbb: {  	s0 =	sor.u32 s1, s0  }
0xbc: {  	s0 =	sadd.s32 $0x8F2B, s0  }
0xbd: {  	[sflag:s0] =	ssyncadd.remote.s32 $0x1  }
0xbe: {  	_ =	sfence.sel $0xFFFF  }
0xbf: {  	[dreg:$0x0] =	wrdreg $0xFFFFFFFF;
	(pc) =	sbr.abs _section_cstart, $3  }
0xc0: {  	[dreg:$0x1] =	wrdreg $0xFFFFFFFF  }
0xc1: {  	_ =	task.clear_ibuf [dreg:s7], $0x2FFFF;
	_ =	strace $0x9FFFFFFF  }
0xc2: {  	(tm) =	ssettm $0x7FFFFFFF  }
0xc3: {  	_ =	shalt  }
tec
execute0_lowered:
.L_overlay_start_1:
0x0: {  	(tag) =	ssettag $0x1  }
0x1: {  	s5 =	rddreg [dreg:$0x0]  }
0x2: {  	s1 =	srdreg.scid;
	s0 =	stileid.u32  }
0x3: {  	s2 =	rddreg [dreg:$0x1];
	s3 =	simm.s32 $0x0;
	s9 =	simm.s32 $0x1  }
0x4: {  	s10 =	simm.s32 $0x4100;
	s11 =	simm.s32 $0x4200;
	s12 =	simm.s32 $0x0  }
0x5: {  	v10 =	vlaneseq.u32;
	s4 =	sand.u32 $0x1, s1;
	s6 =	sshll.u32 s0, $0x1;
	[smem:$0x7FF] =	sst s3  }
0x6: {  	v3 =	vimm.s32 $0x4;
	v6 =	vimm.s32 $0x9;
	vm0 =	vmmov $0xff;
	s1 =	rddreg [dreg:$0x2];
	s6 =	sor.u32 s4, s6;
	_ =	strace $0x80000047  }
0x7: {  	v0 =	vshrl.u32 v10, $0x3;
	v1 =	vand.u32 $0x7, v10;
	v10 =	vor.u32 $0x8, v10;
	s8 =	ssub.s32 $0x2, s4;
	s7 =	sshll.u32 s6, $0xB;
	s6 =	smul.u32 $0x1800, s6  }
0x8: {  	v2 =	vor.u32 $0x2, v0;
	s4 =	sadd.s32 $0xA00, s5;
	v4 =	vadd.s32 $0x5, v0;
	v5 =	vadd.s32 $0x7, v0;
	s31 =	sshrl.u32 s8, $0x1;
	s7 =	sadd.s32 s7, s5  }
0x9: {  	v7 =	vor.u32 $0xA, v0;
	v8 =	vor.u32 $0xC, v0;
	v9 =	vor.u32 $0xE, v0;
	s8 =	ssub.s32 s8, s31;
	s6 =	sadd.s32 s6, s5;
	s5 =	sadd.s32 $0xC00, s7  }
0xa: {  	v11 =	vor.u32 $0x4, v0;
	v12 =	vor.u32 $0x6, v0;
	v13 =	vor.u32 $0x8, v0;
	s7 =	smax.u32 s8, $0x1;
	s8 =	simm.s32 $0x4000;
	s6 =	sadd.s32 $0x10C00, s6  }
.LBB2_1:
0xb: {  	[tilespmem:s8], [sflag:$0x1] =	stream.linear.gather [hbm4b:s2+s3], $0x100, $0x38;
	[tilespmem:$0x10200] =	vst v63  }
0xc: {  	_ =	swait.ge [sflag:s9], $0x100  }
0xd: {  	[sflag:s9] =	ssyncset.done $0x0  }
0xe: {  	[sflag:s9] =	ssyncadd.s32 $0xFFFFFF00  }
0xf: {  	[tilespmem:s10], [sflag:$0x1] =	stream.linear.gather [hbm4b:s4+s3], $0x100, $0x38;
	[tilespmem:$0x10200] =	vst v63  }
0x10: {  	_ =	swait.ge [sflag:s9], $0x100  }
0x11: {  	[sflag:s9] =	ssyncset.done $0x0  }
0x12: {  	[sflag:s9] =	ssyncadd.s32 $0xFFFFFF00  }
0x13: {  	[tilespmem:s3], [sflag:$0x1] =	stream.linear.gather [hbm4b:s5+s3], $0x4000, $0x38;
	[tilespmem:$0x10200] =	vst v63  }
0x14: {  	s13 =	simm.s32 $0xFFFFFFFC;
	_ =	swait.ge [sflag:s9], $0x4000  }
0x15: {  	s14 =	simm.s32 $0x60;
	s15 =	simm.s32 $0x140;
	[sflag:s9] =	ssyncset.done $0x0  }
0x16: {  	s16 =	simm.s32 $0x42A0;
	s17 =	simm.s32 $0x40;
	[sflag:s9] =	ssyncadd.s32 $0xFFFFC000  }
.LBB2_2:
0x17: {  	v14 =	vld [tilespmem:s17+$0xFFFFFFC0];
	_ =	sdelay $0x1  }
0x18: {  	v15 =	vld [tilespmem:s17+$0xFFFFFFD0];
	_ =	sdelay $0x2  }
0x19: {  	v16 =	vperm.xlane v14, v7  }
0x1a: {  	v17 =	vperm.xlane v14, v8  }
0x1b: {  	v19 =	vperm.xlane v15, v11;
	v16 =	vshll.u32 v16, $0x3  }
0x1c: {  	v20 =	vperm.xlane v15, v12;
	v17 =	vshll.u32 v17, $0x3;
	v16 =	vor.u32 v1, v16  }
0x1d: {  	v18 =	vperm.xlane v14, v9;
	v19 =	vshll.u32 v19, $0x3;
	v17 =	vor.u32 v1, v17  }
0x1e: {  	v22 =	vperm.xlane v15, v13;
	v20 =	vshll.u32 v20, $0x3;
	v19 =	vor.u32 v1, v19  }
0x1f: {  	v21 =	vperm.xlane v15, v0;
	v18 =	vshll.u32 v18, $0x3;
	v20 =	vor.u32 v1, v20  }
0x20: {  	v24 =	vperm.xlane v15, v7;
	v22 =	vshll.u32 v22, $0x3;
	v18 =	vor.u32 v1, v18  }
0x21: {  	v23 =	vperm.xlane v15, v2;
	v21 =	vshll.u32 v21, $0x3;
	v22 =	vor.u32 v1, v22;
	v16 =	vld.idx.msk [tilespmem:v16+s8+$0x0], $0xffff  }
0x22: {  	v15 =	vperm.xlane v15, v8;
	v24 =	vshll.u32 v24, $0x3;
	v21 =	vor.u32 v1, v21;
	v17 =	vld.idx.msk [tilespmem:v17+s8+$0x0], $0xffff  }
0x23: {  	v23 =	vshll.u32 v23, $0x3;
	v24 =	vor.u32 v1, v24;
	v19 =	vld.idx.msk [tilespmem:v19+s8+$0x0], $0xffff  }
0x24: {  	v15 =	vshll.u32 v15, $0x3;
	v23 =	vor.u32 v1, v23;
	v20 =	vld.idx.msk [tilespmem:v20+s8+$0x0], $0xffff  }
0x25: {  	v15 =	vor.u32 v1, v15;
	v18 =	vld.idx.msk [tilespmem:v18+s8+$0x0], $0xffff  }
0x26: {  	v25 =	vperm.xlane v14, v0;
	v22 =	vld.idx.msk [tilespmem:v22+s8+$0x0], $0xffff  }
0x27: {  	v46 =	vperm.xlane v14, v2;
	v47 =	vperm.xlane v14, v3;
	v21 =	vld.idx.msk [tilespmem:v21+s8+$0x0], $0xffff  }
0x28: {  	v48 =	vperm.xlane v14, v4;
	v49 =	vperm.xlane v14, v5;
	v24 =	vld.idx.msk [tilespmem:v24+s8+$0x0], $0xffff;
	v16 =	vadd.f32 v17, v16  }
0x29: {  	v14 =	vperm.xlane v14, v6;
	v25 =	vshll.u32 v25, $0x3;
	v23 =	vld.idx.msk [tilespmem:v23+s8+$0x0], $0xffff;
	v19 =	vadd.f32 v20, v19  }
0x2a: {  	v25 =	vor.u32 v1, v25;
	v15 =	vld.idx.msk [tilespmem:v15+s8+$0x0], $0xffff;
	v17 =	vshll.u32 v46, $0x3;
	v16 =	vadd.f32 v18, v16  }
0x2b: {  	v20 =	vshll.u32 v48, $0x3;
	v17 =	vor.u32 v1, v17;
	v19 =	vadd.f32 v22, v19  }
0x2c: {  	v20 =	vor.u32 v1, v20;
	v18 =	vshll.u32 v47, $0x3;
	v16 =	vadd.f32 v21, v16  }
0x2d: {  	v18 =	vor.u32 v1, v18;
	v21 =	vshll.u32 v49, $0x3;
	v19 =	vadd.f32 v24, v19  }
0x2e: {  	v14 =	vshll.u32 v14, $0x3;
	v21 =	vor.u32 v1, v21;
	v16 =	vadd.f32 v23, v16  }
0x2f: {  	v14 =	vor.u32 v1, v14;
	v51 =	vld.idx.msk [tilespmem:v25+s8+$0x0], $0xffff;
	v15 =	vadd.f32 v15, v19  }
0x30: {  	v17 =	vld.idx.msk [tilespmem:v17+s8+$0x0], $0xffff;
	v50 =	vperm.xlane v16, v10  }
0x31: {  	v20 =	vld.idx.msk [tilespmem:v20+s10+$0x0], $0xffff;
	v19 =	vperm.xlane v15, v10  }
0x32: {  	v18 =	vld.idx.msk [tilespmem:v18+s8+$0x0], $0xffff;
	v16 =	vadd.f32 v50, v16  }
0x33: {  	v21 =	vld.idx.msk [tilespmem:v21+s10+$0x0], $0xffff;
	v15 =	vadd.f32 v19, v15  }
0x34: {  	v14 =	vld.idx.msk [tilespmem:v14+s10+$0x0], $0xffff;
	v16 =	vmul.f32 $1.000000010e-01, v16  }
0x35: {  	[tilespmem:s16+$0xFFFFFF60] =	vst v51;
	v15 =	vmul.f32 $1.000000010e-01, v15  }
0x36: {  	[tilespmem:s16+$0xFFFFFF70] =	vst v17;
	v16 =	vperm.xlane v16, v1  }
0x37: {  	[tilespmem:s16+$0xFFFFFF90] =	vst v20;
	v15 =	vperm.xlane v15, v1  }
0x38: {  	[tilespmem:s16+$0xFFFFFFA0] =	vst v21;
	v16 =	vsel vm0, v18, v16  }
0x39: {  	v14 =	vsel vm0, v14, v15;
	[tilespmem:s16+$0xFFFFFF80] =	vst v16  }
0x3a: {  	[tilespmem:s16+$0xFFFFFFB0] =	vst v14  }
0x3b: {  	s18 =	sadd.s32 $0xFFFFFFC0, s14;
	v14 =	vld [tilespmem:s17+$0xFFFFFFE0]  }
0x3c: {  	s18 =	sor.u32 $0x30, s18  }
0x3d: {  	v15 =	vld [tilespmem:s18+$0x0];
	_ =	sdelay $0x2  }
0x3e: {  	v52 =	vperm.xlane v14, v7  }
0x3f: {  	v53 =	vperm.xlane v14, v8  }
0x40: {  	v55 =	vperm.xlane v15, v11;
	v16 =	vshll.u32 v52, $0x3  }
0x41: {  	v56 =	vperm.xlane v15, v12;
	v17 =	vshll.u32 v53, $0x3;
	v16 =	vor.u32 v1, v16  }
0x42: {  	v54 =	vperm.xlane v14, v9;
	v19 =	vshll.u32 v55, $0x3;
	v17 =	vor.u32 v1, v17  }
0x43: {  	v58 =	vperm.xlane v15, v13;
	v20 =	vshll.u32 v56, $0x3;
	v19 =	vor.u32 v1, v19  }
0x44: {  	v57 =	vperm.xlane v15, v0;
	v18 =	vshll.u32 v54, $0x3;
	v20 =	vor.u32 v1, v20  }
0x45: {  	v60 =	vperm.xlane v15, v7;
	v22 =	vshll.u32 v58, $0x3;
	v18 =	vor.u32 v1, v18  }
0x46: {  	v59 =	vperm.xlane v15, v2;
	v21 =	vshll.u32 v57, $0x3;
	v22 =	vor.u32 v1, v22;
	v16 =	vld.idx.msk [tilespmem:v16+s8+$0x0], $0xffff  }
0x47: {  	v15 =	vperm.xlane v15, v8;
	v24 =	vshll.u32 v60, $0x3;
	v21 =	vor.u32 v1, v21;
	v17 =	vld.idx.msk [tilespmem:v17+s8+$0x0], $0xffff  }
0x48: {  	v23 =	vshll.u32 v59, $0x3;
	v24 =	vor.u32 v1, v24;
	v19 =	vld.idx.msk [tilespmem:v19+s8+$0x0], $0xffff  }
0x49: {  	v15 =	vshll.u32 v15, $0x3;
	v23 =	vor.u32 v1, v23;
	v20 =	vld.idx.msk [tilespmem:v20+s8+$0x0], $0xffff  }
0x4a: {  	v15 =	vor.u32 v1, v15;
	v18 =	vld.idx.msk [tilespmem:v18+s8+$0x0], $0xffff  }
0x4b: {  	v61 =	vperm.xlane v14, v0;
	v22 =	vld.idx.msk [tilespmem:v22+s8+$0x0], $0xffff  }
0x4c: {  	v62 =	vperm.xlane v14, v2;
	v63 =	vperm.xlane v14, v3;
	v21 =	vld.idx.msk [tilespmem:v21+s8+$0x0], $0xffff  }
0x4d: {  	v28 =	vperm.xlane v14, v4;
	v29 =	vperm.xlane v14, v5;
	v24 =	vld.idx.msk [tilespmem:v24+s8+$0x0], $0xffff;
	v16 =	vadd.f32 v17, v16  }
0x4e: {  	v14 =	vperm.xlane v14, v6;
	v25 =	vshll.u32 v61, $0x3;
	v23 =	vld.idx.msk [tilespmem:v23+s8+$0x0], $0xffff;
	v19 =	vadd.f32 v20, v19  }
0x4f: {  	v25 =	vor.u32 v1, v25;
	v15 =	vld.idx.msk [tilespmem:v15+s8+$0x0], $0xffff;
	v17 =	vshll.u32 v62, $0x3;
	v16 =	vadd.f32 v18, v16  }
0x50: {  	v20 =	vshll.u32 v28, $0x3;
	v17 =	vor.u32 v1, v17;
	v19 =	vadd.f32 v22, v19  }
0x51: {  	v20 =	vor.u32 v1, v20;
	v18 =	vshll.u32 v63, $0x3;
	v16 =	vadd.f32 v21, v16  }
0x52: {  	v18 =	vor.u32 v1, v18;
	v21 =	vshll.u32 v29, $0x3;
	v19 =	vadd.f32 v24, v19  }
0x53: {  	v14 =	vshll.u32 v14, $0x3;
	v21 =	vor.u32 v1, v21;
	v16 =	vadd.f32 v23, v16  }
0x54: {  	v14 =	vor.u32 v1, v14;
	v31 =	vld.idx.msk [tilespmem:v25+s8+$0x0], $0xffff;
	v15 =	vadd.f32 v15, v19  }
0x55: {  	v17 =	vld.idx.msk [tilespmem:v17+s8+$0x0], $0xffff;
	v30 =	vperm.xlane v16, v10  }
0x56: {  	v20 =	vld.idx.msk [tilespmem:v20+s10+$0x0], $0xffff;
	v19 =	vperm.xlane v15, v10  }
0x57: {  	v18 =	vld.idx.msk [tilespmem:v18+s8+$0x0], $0xffff;
	v16 =	vadd.f32 v30, v16  }
0x58: {  	v21 =	vld.idx.msk [tilespmem:v21+s10+$0x0], $0xffff;
	v15 =	vadd.f32 v19, v15  }
0x59: {  	s21 =	sadd.s32 $0xFFFFFF20, s15;
	v14 =	vld.idx.msk [tilespmem:v14+s10+$0x0], $0xffff;
	v16 =	vmul.f32 $1.000000010e-01, v16  }
0x5a: {  	s19 =	sor.u32 $0x70, s21;
	[tilespmem:s16+$0xFFFFFFC0] =	vst v31;
	v15 =	vmul.f32 $1.000000010e-01, v15  }
0x5b: {  	[tilespmem:s19+$0x4200] =	vst v17;
	v16 =	vperm.xlane v16, v1  }
0x5c: {  	[tilespmem:s16+$0xFFFFFFF0] =	vst v20;
	v15 =	vperm.xlane v15, v1  }
0x5d: {  	[tilespmem:s16+$0x0] =	vst v21;
	v16 =	vsel vm0, v18, v16  }
0x5e: {  	s18 =	sor.u32 $0x30, s21;
	v14 =	vsel vm0, v14, v15;
	[tilespmem:s16+$0xFFFFFFE0] =	vst v16  }
0x5f: {  	[tilespmem:s18+$0x4240] =	vst v14  }
0x60: {  	v14 =	vld [tilespmem:s17+$0x0]  }
0x61: {  	s22 =	sadd.s32 $0xFFFFFFE0, s14  }
0x62: {  	s18 =	sor.u32 $0x50, s22  }
0x63: {  	v15 =	vld [tilespmem:s18+$0x0];
	_ =	sdelay $0x1  }
0x64: {  	v32 =	vperm.xlane v14, v7  }
0x65: {  	v33 =	vperm.xlane v14, v8  }
0x66: {  	v34 =	vperm.xlane v14, v9;
	v16 =	vshll.u32 v32, $0x3  }
0x67: {  	v35 =	vperm.xlane v15, v11;
	v17 =	vshll.u32 v33, $0x3;
	v16 =	vor.u32 v1, v16  }
0x68: {  	v36 =	vperm.xlane v15, v12;
	v18 =	vshll.u32 v34, $0x3;
	v17 =	vor.u32 v1, v17  }
0x69: {  	v37 =	vperm.xlane v15, v0;
	v19 =	vshll.u32 v35, $0x3;
	v18 =	vor.u32 v1, v18  }
0x6a: {  	v38 =	vperm.xlane v15, v13;
	v20 =	vshll.u32 v36, $0x3;
	v19 =	vor.u32 v1, v19  }
0x6b: {  	v39 =	vperm.xlane v15, v2;
	v21 =	vshll.u32 v37, $0x3;
	v20 =	vor.u32 v1, v20  }
0x6c: {  	v40 =	vperm.xlane v15, v7;
	v22 =	vshll.u32 v38, $0x3;
	v21 =	vor.u32 v1, v21;
	v16 =	vld.idx.msk [tilespmem:v16+s8+$0x0], $0xffff  }
0x6d: {  	v23 =	vshll.u32 v39, $0x3;
	v22 =	vor.u32 v1, v22;
	v17 =	vld.idx.msk [tilespmem:v17+s8+$0x0], $0xffff  }
0x6e: {  	v15 =	vperm.xlane v15, v8;
	v24 =	vshll.u32 v40, $0x3;
	v23 =	vor.u32 v1, v23;
	v18 =	vld.idx.msk [tilespmem:v18+s8+$0x0], $0xffff  }
0x6f: {  	v24 =	vor.u32 v1, v24;
	v19 =	vld.idx.msk [tilespmem:v19+s8+$0x0], $0xffff  }
0x70: {  	v15 =	vshll.u32 v15, $0x3;
	v20 =	vld.idx.msk [tilespmem:v20+s8+$0x0], $0xffff  }
0x71: {  	v15 =	vor.u32 v1, v15;
	v21 =	vld.idx.msk [tilespmem:v21+s8+$0x0], $0xffff  }
0x72: {  	v41 =	vperm.xlane v14, v0;
	v22 =	vld.idx.msk [tilespmem:v22+s8+$0x0], $0xffff;
	v16 =	vadd.f32 v17, v16  }
0x73: {  	v42 =	vperm.xlane v14, v2;
	v43 =	vperm.xlane v14, v3;
	v23 =	vld.idx.msk [tilespmem:v23+s8+$0x0], $0xffff  }
0x74: {  	v44 =	vperm.xlane v14, v4;
	v45 =	vperm.xlane v14, v5;
	v24 =	vld.idx.msk [tilespmem:v24+s8+$0x0], $0xffff;
	v16 =	vadd.f32 v18, v16  }
0x75: {  	v14 =	vperm.xlane v14, v6;
	v25 =	vshll.u32 v41, $0x3;
	v19 =	vadd.f32 v20, v19  }
0x76: {  	v25 =	vor.u32 v1, v25;
	v15 =	vld.idx.msk [tilespmem:v15+s8+$0x0], $0xffff;
	v17 =	vshll.u32 v42, $0x3;
	v16 =	vadd.f32 v21, v16  }
0x77: {  	v17 =	vor.u32 v1, v17;
	v18 =	vshll.u32 v43, $0x3;
	v19 =	vadd.f32 v22, v19  }
0x78: {  	v14 =	vshll.u32 v14, $0x3;
	v18 =	vor.u32 v1, v18;
	v16 =	vadd.f32 v23, v16  }
0x79: {  	v14 =	vor.u32 v1, v14;
	v20 =	vshll.u32 v44, $0x3;
	v19 =	vadd.f32 v24, v19  }
0x7a: {  	v20 =	vor.u32 v1, v20;
	v21 =	vshll.u32 v45, $0x3;
	v46 =	vperm.xlane v16, v10  }
0x7b: {  	v47 =	vld.idx.msk [tilespmem:v25+s8+$0x0], $0xffff;
	v21 =	vor.u32 v1, v21;
	v15 =	vadd.f32 v15, v19  }
0x7c: {  	v17 =	vld.idx.msk [tilespmem:v17+s8+$0x0], $0xffff;
	v16 =	vadd.f32 v46, v16  }
0x7d: {  	v18 =	vld.idx.msk [tilespmem:v18+s8+$0x0], $0xffff;
	v19 =	vperm.xlane v15, v10  }
0x7e: {  	v14 =	vld.idx.msk [tilespmem:v14+s10+$0x0], $0xffff;
	v16 =	vmul.f32 $1.000000010e-01, v16  }
0x7f: {  	v20 =	vld.idx.msk [tilespmem:v20+s10+$0x0], $0xffff;
	v15 =	vadd.f32 v19, v15  }
0x80: {  	s23 =	sadd.s32 $0xFFFFFF80, s15;
	v21 =	vld.idx.msk [tilespmem:v21+s10+$0x0], $0xffff;
	v16 =	vperm.xlane v16, v1  }
0x81: {  	s24 =	sor.u32 $0x50, s23;
	[tilespmem:s16+$0x20] =	vst v47;
	v15 =	vmul.f32 $1.000000010e-01, v15  }
0x82: {  	s25 =	sor.u32 $0x60, s23;
	[tilespmem:s24+$0x4200] =	vst v17;
	v16 =	vsel vm0, v18, v16  }
0x83: {  	s18 =	sor.u32 $0x70, s23;
	v15 =	vperm.xlane v15, v1;
	[tilespmem:s25+$0x4200] =	vst v16  }
0x84: {  	[tilespmem:s18+$0x4200] =	vst v20  }
0x85: {  	v14 =	vsel vm0, v14, v15;
	[tilespmem:s16+$0x60] =	vst v21  }
0x86: {  	[tilespmem:s16+$0x70] =	vst v14  }
0x87: {  	v14 =	vld [tilespmem:s17+$0x20];
	_ =	sdelay $0x1  }
0x88: {  	s26 =	sor.u32 $0x70, s14  }
0x89: {  	v15 =	vld [tilespmem:s26+$0x0];
	_ =	sdelay $0x1  }
0x8a: {  	v48 =	vperm.xlane v14, v7  }
0x8b: {  	v49 =	vperm.xlane v14, v8  }
0x8c: {  	v50 =	vperm.xlane v14, v9;
	v16 =	vshll.u32 v48, $0x3  }
0x8d: {  	v51 =	vperm.xlane v15, v11;
	v17 =	vshll.u32 v49, $0x3;
	v16 =	vor.u32 v1, v16  }
0x8e: {  	v52 =	vperm.xlane v15, v12;
	v18 =	vshll.u32 v50, $0x3;
	v17 =	vor.u32 v1, v17  }
0x8f: {  	v53 =	vperm.xlane v15, v0;
	v19 =	vshll.u32 v51, $0x3;
	v18 =	vor.u32 v1, v18  }
0x90: {  	v54 =	vperm.xlane v15, v13;
	v20 =	vshll.u32 v52, $0x3;
	v19 =	vor.u32 v1, v19  }
0x91: {  	v55 =	vperm.xlane v15, v2;
	v21 =	vshll.u32 v53, $0x3;
	v20 =	vor.u32 v1, v20  }
0x92: {  	v56 =	vperm.xlane v15, v7;
	v22 =	vshll.u32 v54, $0x3;
	v21 =	vor.u32 v1, v21;
	v16 =	vld.idx.msk [tilespmem:v16+s8+$0x0], $0xffff  }
0x93: {  	v23 =	vshll.u32 v55, $0x3;
	v22 =	vor.u32 v1, v22;
	v17 =	vld.idx.msk [tilespmem:v17+s8+$0x0], $0xffff  }
0x94: {  	v15 =	vperm.xlane v15, v8;
	v24 =	vshll.u32 v56, $0x3;
	v23 =	vor.u32 v1, v23;
	v18 =	vld.idx.msk [tilespmem:v18+s8+$0x0], $0xffff  }
0x95: {  	v24 =	vor.u32 v1, v24;
	v19 =	vld.idx.msk [tilespmem:v19+s8+$0x0], $0xffff  }
0x96: {  	v15 =	vshll.u32 v15, $0x3;
	v20 =	vld.idx.msk [tilespmem:v20+s8+$0x0], $0xffff  }
0x97: {  	v15 =	vor.u32 v1, v15;
	v21 =	vld.idx.msk [tilespmem:v21+s8+$0x0], $0xffff  }
0x98: {  	v57 =	vperm.xlane v14, v0;
	v22 =	vld.idx.msk [tilespmem:v22+s8+$0x0], $0xffff;
	v16 =	vadd.f32 v17, v16  }
0x99: {  	v58 =	vperm.xlane v14, v2;
	v59 =	vperm.xlane v14, v3;
	v23 =	vld.idx.msk [tilespmem:v23+s8+$0x0], $0xffff  }
0x9a: {  	v60 =	vperm.xlane v14, v4;
	v61 =	vperm.xlane v14, v5;
	v24 =	vld.idx.msk [tilespmem:v24+s8+$0x0], $0xffff;
	v16 =	vadd.f32 v18, v16  }
0x9b: {  	v14 =	vperm.xlane v14, v6;
	v25 =	vshll.u32 v57, $0x3;
	v19 =	vadd.f32 v20, v19  }
0x9c: {  	v25 =	vor.u32 v1, v25;
	v15 =	vld.idx.msk [tilespmem:v15+s8+$0x0], $0xffff;
	v17 =	vshll.u32 v58, $0x3;
	v16 =	vadd.f32 v21, v16  }
0x9d: {  	v17 =	vor.u32 v1, v17;
	v18 =	vshll.u32 v59, $0x3;
	v19 =	vadd.f32 v22, v19  }
0x9e: {  	v14 =	vshll.u32 v14, $0x3;
	v18 =	vor.u32 v1, v18;
	v16 =	vadd.f32 v23, v16  }
0x9f: {  	v14 =	vor.u32 v1, v14;
	v20 =	vshll.u32 v60, $0x3;
	v19 =	vadd.f32 v24, v19  }
0xa0: {  	v20 =	vor.u32 v1, v20;
	v21 =	vshll.u32 v61, $0x3;
	v62 =	vperm.xlane v16, v10  }
0xa1: {  	v63 =	vld.idx.msk [tilespmem:v25+s8+$0x0], $0xffff;
	v21 =	vor.u32 v1, v21;
	v15 =	vadd.f32 v15, v19  }
0xa2: {  	v17 =	vld.idx.msk [tilespmem:v17+s8+$0x0], $0xffff;
	v16 =	vadd.f32 v62, v16  }
0xa3: {  	v18 =	vld.idx.msk [tilespmem:v18+s8+$0x0], $0xffff;
	v19 =	vperm.xlane v15, v10  }
0xa4: {  	v14 =	vld.idx.msk [tilespmem:v14+s10+$0x0], $0xffff;
	v16 =	vmul.f32 $1.000000010e-01, v16  }
0xa5: {  	v20 =	vld.idx.msk [tilespmem:v20+s10+$0x0], $0xffff;
	v15 =	vadd.f32 v19, v15  }
0xa6: {  	s28 =	sadd.s32 $0xFFFFFFE0, s15;
	s13 =	sadd.s32 $0x4, s13;
	v21 =	vld.idx.msk [tilespmem:v21+s10+$0x0], $0xffff;
	v16 =	vperm.xlane v16, v1  }
0xa7: {  	s29 =	sor.u32 $0x30, s28;
	p0 =	slt.u32 s13, $0x1FC;
	[tilespmem:s16+$0x80] =	vst v63;
	v15 =	vmul.f32 $1.000000010e-01, v15  }
.Ltmp0:
0xa8: {  	[tilespmem:s29+$0x4200] =	vst v17;
	v16 =	vsel vm0, v18, v16;
	(pc) =	sbr.rel @p0 .LBB2_2-.Ltmp0, $4  }
0xa9: {  	s30 =	sor.u32 $0x50, s15;
	v15 =	vperm.xlane v15, v1;
	[tilespmem:s16+$0xA0] =	vst v16  }
0xaa: {  	s31 =	sor.u32 $0x60, s28;
	[tilespmem:s30+$0x4200] =	vst v20  }
0xab: {  	s14 =	sadd.s32 $0x80, s14;
	s18 =	sor.u32 $0x70, s28;
	v14 =	vsel vm0, v14, v15;
	[tilespmem:s31+$0x4200] =	vst v21  }
0xac: {  	s15 =	sadd.s32 $0x180, s15;
	s17 =	sadd.s32 $0x80, s17;
	s16 =	sadd.s32 $0x180, s16;
	[tilespmem:s18+$0x4200] =	vst v14  }
0xad: {  	s12 =	sadd.s32 $0x1, s12  }
0xae: {  	p0 =	sne.s32 s12, s7  }
.Ltmp1:
0xaf: {  	_ = 	snop;
	(pc) =	sbr.rel @p0 .LBB2_1-.Ltmp1, $4  }
0xb0: {  	[hbm4b:s6+s3] =	stream.linear.scatter [tilespmem:s11], [sflag:$0x1], $0xC000, $0x38;
	[tilespmem:$0x10200] =	vst v63  }
0xb1: {  	_ =	swait.ge [sflag:s9], $0xC000  }
0xb2: {  	[sflag:s9] =	ssyncset.done $0x0  }
0xb3: {  	[sflag:s9] =	ssyncadd.s32 $0xFFFF4000  }
0xb4: {  	_ =	sfence.sel $0x180000  }
0xb5: {  	[bflag:$0x0] =	sbarrier.arrive $0xFFFF  }
0xb6: {  	p0 =	sne.s32 s0, $0x0;
	_ =	strace $0x90000047  }
0xb7: {  	s0 =	sadd.s32 @!p0 $0x100000, s1;
	[bflag:$0x2] =	sbarrier.arrive $0xFFFF  }
0xb8: {  	[sflag:s0] =	ssyncadd.tile.s32 @!p0 $0x1;
	_ =	shalt  }
.Lfunc_end2:
_tile_overlayer_lowered:
.L_overlay_start_2:
0xb9: {  	(tag) =	ssettag $0x2  }
0xba: {  	s0 =	rddreg [dreg:$0x0];
	s2 =	stileid.u32  }
0xbb: {  	s1 =	rddreg [dreg:$0x1];
	p0 =	sne.s32 s2, $0x0  }
0xbc: {  	s3 =	rddreg [dreg:$0x2];
	[bflag:$0x3] =	sbarrier.arrive $0xFFFF;
	s2 =	simm.s32 @!p0 $0x1C01  }
0xbd: {  	[timem:s3], [sflag:s2] =	dma.local @!p0 [hbm:s0], s1  }
0xbe: {  	s0 =	simm.s32 @!p0 $0x1  }
0xbf: {  	_ =	swait.ge @!p0 [sflag:s0], s1  }
0xc0: {  	s1 =	ssub.s32 @!p0 $0x0, s1;
	[sflag:s0] =	ssyncset.done @!p0 $0x0  }
0xc1: {  	[sflag:s0] =	ssyncadd.s32 @!p0 s1  }
0xc2: {  	[bflag:$0x3] =	sbarrier.arrive $0xFFFF  }
0xc3: {  	_ =	shalt  }

</sc_bundles>
